<compile_context>
chip_gen: v7x
topology: tpu7x:2x2x1
jax: 0.10.2.dev20260603
libtpu: 0.0.44.dev20260713+nightly
codegen_flags: <defaults>
</compile_context>

<pallas_src>
import jax
import jax.numpy as jnp
from jax import lax
from jax.experimental import pallas as pl
from jax.experimental.pallas import tpu as pltpu
from jax.experimental.pallas import tpu_sc as plsc

_N_REL = 1000
_DIM = 32
_B = 16384
_GAMMA = 12.0

_NC = 2
_NS = 16
_NW = _NC * _NS
_BPW = _B // _NW
_GCH = 128
_NG = _BPW // _GCH
_L = 16


def _body(h_hbm, r_hbm, t_hbm, ent_hbm, rel_hbm, out_hbm,
          hidx, ridx, tidx, sign_v, hv, rv, tv, out_v, sem):
    wid = lax.axis_index("s") * _NC + lax.axis_index("c")
    base = pl.multiple_of(wid * _BPW, _BPW)

    for c in range(_NG):
        pltpu.sync_copy(h_hbm.at[pl.ds(base + c * _GCH, _GCH)], hidx.at[c])
        pltpu.sync_copy(r_hbm.at[pl.ds(base + c * _GCH, _GCH)], ridx.at[c])
        pltpu.sync_copy(t_hbm.at[pl.ds(base + c * _GCH, _GCH)], tidx.at[c])

    for c in range(_NG):
        for k in range(_GCH // _L):
            rvec = ridx[c, pl.ds(k * _L, _L)]
            neg = rvec >= _N_REL
            ridx[c, pl.ds(k * _L, _L)] = rvec - jnp.where(neg, _N_REL, 0)
            sign_v[pl.ds(c * _GCH + k * _L, _L)] = jnp.where(neg, -1.0, 1.0)

    cps = []
    for c in range(_NG):
        sl = pl.ds(c * _GCH, _GCH)
        cps.append(pltpu.async_copy(ent_hbm.at[hidx.at[c]], hv.at[sl], sem))
        cps.append(pltpu.async_copy(rel_hbm.at[ridx.at[c]], rv.at[sl], sem))
        cps.append(pltpu.async_copy(ent_hbm.at[tidx.at[c]], tv.at[sl], sem))
    for cp in cps:
        cp.wait()

    lanes = lax.iota(jnp.int32, _L)

    def chunk(g, _):
        off = pl.multiple_of(g * _L, _L)
        rows = g * _L + lanes
        s = sign_v[pl.ds(off, _L)]

        def dim(j, acc):
            col = jnp.full((_L,), 0, jnp.int32) + j
            hj = plsc.load_gather(hv, [rows, col])
            rj = plsc.load_gather(rv, [rows, col])
            tj = plsc.load_gather(tv, [rows, col])
            return acc + jnp.abs(hj + s * rj - tj)

        acc = lax.fori_loop(0, _DIM, dim, jnp.zeros((_L,), jnp.float32))
        out_v[pl.ds(off, _L)] = _GAMMA - acc
        return 0

    lax.fori_loop(0, _BPW // _L, chunk, 0)

    pltpu.sync_copy(out_v, out_hbm.at[pl.ds(base, _BPW)])


@jax.jit
def kernel(h, r, t, ent_embed, rel_embed):
    mesh = plsc.VectorSubcoreMesh(core_axis_name="c", subcore_axis_name="s")
    run = pl.kernel(
        _body,
        out_type=jax.ShapeDtypeStruct((_B,), jnp.float32),
        mesh=mesh,
        scratch_types=[
            pltpu.VMEM((_NG, _GCH), jnp.int32),
            pltpu.VMEM((_NG, _GCH), jnp.int32),
            pltpu.VMEM((_NG, _GCH), jnp.int32),
            pltpu.VMEM((_BPW,), jnp.float32),
            pltpu.VMEM((_BPW, _DIM), jnp.float32),
            pltpu.VMEM((_BPW, _DIM), jnp.float32),
            pltpu.VMEM((_BPW, _DIM), jnp.float32),
            pltpu.VMEM((_BPW,), jnp.float32),
            pltpu.SemaphoreType.DMA,
        ],
        compiler_params=pltpu.CompilerParams(
            needs_layout_passes=False, use_tc_tiling_on_sc=False
        ),
    )
    return run(h, r, t, ent_embed, rel_embed)

# --- scband reference (transcript-rebuilt; emitter-appended) ---
"""Pipeline reference for scband-trans-e-22316650070809 (READ-ONLY COPY).

The authoritative reference and input builder live on the scoring server;
editing this copy changes nothing except your own understanding.
"""

import jax, jax.numpy as jnp
import numpy as np

N_ENT = 1000000
N_REL = 1000
DIM = 32
B = 16384
GAMMA = 12.0


def _xavier(key, shape):
    fan_in, fan_out = shape[0], shape[1]
    bound = float(np.sqrt(6.0 / (fan_in + fan_out)))
    return jax.random.uniform(key, shape, minval=-bound, maxval=bound, dtype=jnp.float32)


def setup_inputs(seed: int = 0) -> dict:
    key = jax.random.key(seed)
    k1, k2, k3, k4, k5 = jax.random.split(key, 5)
    ent_embed = _xavier(k1, (N_ENT, DIM))
    rel_embed = _xavier(k2, (N_REL, DIM))
    h = jax.random.randint(k3, (B,), 0, N_ENT, dtype=jnp.int64 if jax.config.jax_enable_x64 else jnp.int32).astype(jnp.int32)
    r = jax.random.randint(k4, (B,), 0, 2 * N_REL).astype(jnp.int32)
    t = jax.random.randint(k5, (B,), 0, N_ENT).astype(jnp.int32)
    return {"h": h, "r": r, "t": t, "ent_embed": ent_embed, "rel_embed": rel_embed}


def reference(h, r, t, ent_embed, rel_embed):
    hv = jnp.take(ent_embed, h, axis=0)
    rel_full = jnp.concatenate([rel_embed, -rel_embed], axis=0)
    rv = jnp.take(rel_full, r, axis=0)
    tv = jnp.take(ent_embed, t, axis=0)
    dist = hv + rv - tv
    # p = 1 norm
    score = GAMMA - jnp.sum(jnp.abs(dist), axis=-1)
    return score

if __name__ == "__main__":
    import jax
    _d = setup_inputs()
    print(jax.jit(kernel)(*tuple(_d.values())))

</pallas_src>

<mosaic_0001>
#map = affine_map<(d0, d1) -> (0)>
#map1 = affine_map<(d0, d1) -> (0, 0)>
module attributes {stable_mosaic.version = 14 : i64} {
  func.func @_body(%arg0: i32, %arg1: i32, %arg2: memref<16384xi32, #tpu.memory_space<hbm>>, %arg3: memref<16384xi32, #tpu.memory_space<hbm>>, %arg4: memref<16384xi32, #tpu.memory_space<hbm>>, %arg5: memref<1000000x32xf32, #tpu.memory_space<hbm>>, %arg6: memref<1000x32xf32, #tpu.memory_space<hbm>>, %arg7: memref<16384xf32, #tpu.memory_space<hbm>>, %arg8: memref<4x128xi32, #tpu.memory_space<vmem>>, %arg9: memref<4x128xi32, #tpu.memory_space<vmem>>, %arg10: memref<4x128xi32, #tpu.memory_space<vmem>>, %arg11: memref<512xf32, #tpu.memory_space<vmem>>, %arg12: memref<512x32xf32, #tpu.memory_space<vmem>>, %arg13: memref<512x32xf32, #tpu.memory_space<vmem>>, %arg14: memref<512x32xf32, #tpu.memory_space<vmem>>, %arg15: memref<512xf32, #tpu.memory_space<vmem>>, %arg16: memref<!tpu.dma_semaphore, #tpu.memory_space<semaphore_mem>>) attributes {dimension_semantics = [#tpu.dimension_semantics<core_parallel>, #tpu.dimension_semantics<subcore_parallel>], iteration_bounds = array<i64: 2, 16>, scalar_prefetch = 0 : i64, scratch_operands = 9 : i64, tpu.core_type = #tpu.core_type<sc_vector_subcore>, window_params = [{transform_indices = #map}, {transform_indices = #map}, {transform_indices = #map}, {transform_indices = #map1}, {transform_indices = #map1}, {transform_indices = #map}]} {
    %mul3A = arith.constant 2 : i32
    %mul3A_0 = arith.muli %arg1, %mul3A : i32
    %add3A = arith.addi %mul3A_0, %arg0 : i32
    %mul3A_1 = arith.constant 512 : i32
    %mul3A_2 = arith.muli %add3A, %mul3A_1 : i32
    %multiple_of3A = tpu.assume_multiple %mul3A_2, 512 : i32
    %add3A_3 = arith.constant 0 : i32
    %add3A_4 = arith.addi %multiple_of3A, %add3A_3 : i32
    %run_scoped3A = arith.constant 0 : i32
    "tpu.region"() ({
      %run_scoped3A_1043 = tpu.sem_alloc : memref<!tpu.dma_semaphore, #tpu.memory_space<semaphore_mem>>
      %dma_start3A_1044 = arith.constant 0 : i32
      %dma_start3A_1045 = tpu.memref_slice %arg8[%run_scoped3A, %dma_start3A_1044] : memref<4x128xi32, #tpu.memory_space<vmem>> -> memref<1x128xi32, #tpu.memory_space<vmem>>
      %dma_start3A_1046 = tpu.memref_squeeze %dma_start3A_1045 : memref<1x128xi32, #tpu.memory_space<vmem>> -> memref<128xi32, #tpu.memory_space<vmem>>
      %dma_start3A_1047 = tpu.memref_slice %arg2[%add3A_4] : memref<16384xi32, #tpu.memory_space<hbm>> -> memref<128xi32, #tpu.memory_space<hbm>>
      %dma_start3A_1048 = arith.constant 0 : i32
      %dma_start3A_1049 = tpu.memref_slice %arg8[%run_scoped3A, %dma_start3A_1048] : memref<4x128xi32, #tpu.memory_space<vmem>> -> memref<1x128xi32, #tpu.memory_space<vmem>>
      %dma_start3A_1050 = tpu.memref_squeeze %dma_start3A_1049 : memref<1x128xi32, #tpu.memory_space<vmem>> -> memref<128xi32, #tpu.memory_space<vmem>>
      %dma_start3A_1051 = tpu.memref_slice %arg2[%add3A_4] : memref<16384xi32, #tpu.memory_space<hbm>> -> memref<128xi32, #tpu.memory_space<hbm>>
      tpu.enqueue_dma source(%dma_start3A_1051 : memref<128xi32, #tpu.memory_space<hbm>>) target(%dma_start3A_1050 : memref<128xi32, #tpu.memory_space<vmem>>) target_semaphore(%run_scoped3A_1043 : memref<!tpu.dma_semaphore, #tpu.memory_space<semaphore_mem>>)
      %dma_wait3A_1052 = arith.constant 0 : i32
      %dma_wait3A_1053 = tpu.memref_slice %arg8[%run_scoped3A, %dma_wait3A_1052] : memref<4x128xi32, #tpu.memory_space<vmem>> -> memref<1x128xi32, #tpu.memory_space<vmem>>
      %dma_wait3A_1054 = tpu.memref_squeeze %dma_wait3A_1053 : memref<1x128xi32, #tpu.memory_space<vmem>> -> memref<128xi32, #tpu.memory_space<vmem>>
      %dma_wait3A_1055 = tpu.memref_slice %arg2[%add3A_4] : memref<16384xi32, #tpu.memory_space<hbm>> -> memref<128xi32, #tpu.memory_space<hbm>>
      %dma_wait3A_1056 = arith.constant 0 : i32
      %dma_wait3A_1057 = tpu.memref_slice %arg8[%run_scoped3A, %dma_wait3A_1056] : memref<4x128xi32, #tpu.memory_space<vmem>> -> memref<1x128xi32, #tpu.memory_space<vmem>>
      %dma_wait3A_1058 = tpu.memref_squeeze %dma_wait3A_1057 : memref<1x128xi32, #tpu.memory_space<vmem>> -> memref<128xi32, #tpu.memory_space<vmem>>
      %dma_wait3A_1059 = tpu.memref_slice %arg2[%add3A_4] : memref<16384xi32, #tpu.memory_space<hbm>> -> memref<128xi32, #tpu.memory_space<hbm>>
      tpu.wait_dma2 semaphore(%run_scoped3A_1043 : memref<!tpu.dma_semaphore, #tpu.memory_space<semaphore_mem>>) src(%dma_wait3A_1059 : memref<128xi32, #tpu.memory_space<hbm>>) dst(%dma_wait3A_1058 : memref<128xi32, #tpu.memory_space<vmem>>)
      tpu.yield
    }) : () -> ()
    %add3A_5 = arith.constant 0 : i32
    %add3A_6 = arith.addi %multiple_of3A, %add3A_5 : i32
    %run_scoped3A_7 = arith.constant 0 : i32
    "tpu.region"() ({
      %run_scoped3A_1043 = tpu.sem_alloc : memref<!tpu.dma_semaphore, #tpu.memory_space<semaphore_mem>>
      %dma_start3A_1044 = arith.constant 0 : i32
      %dma_start3A_1045 = tpu.memref_slice %arg9[%run_scoped3A_7, %dma_start3A_1044] : memref<4x128xi32, #tpu.memory_space<vmem>> -> memref<1x128xi32, #tpu.memory_space<vmem>>
      %dma_start3A_1046 = tpu.memref_squeeze %dma_start3A_1045 : memref<1x128xi32, #tpu.memory_space<vmem>> -> memref<128xi32, #tpu.memory_space<vmem>>
      %dma_start3A_1047 = tpu.memref_slice %arg3[%add3A_6] : memref<16384xi32, #tpu.memory_space<hbm>> -> memref<128xi32, #tpu.memory_space<hbm>>
      %dma_start3A_1048 = arith.constant 0 : i32
      %dma_start3A_1049 = tpu.memref_slice %arg9[%run_scoped3A_7, %dma_start3A_1048] : memref<4x128xi32, #tpu.memory_space<vmem>> -> memref<1x128xi32, #tpu.memory_space<vmem>>
      %dma_start3A_1050 = tpu.memref_squeeze %dma_start3A_1049 : memref<1x128xi32, #tpu.memory_space<vmem>> -> memref<128xi32, #tpu.memory_space<vmem>>
      %dma_start3A_1051 = tpu.memref_slice %arg3[%add3A_6] : memref<16384xi32, #tpu.memory_space<hbm>> -> memref<128xi32, #tpu.memory_space<hbm>>
      tpu.enqueue_dma source(%dma_start3A_1051 : memref<128xi32, #tpu.memory_space<hbm>>) target(%dma_start3A_1050 : memref<128xi32, #tpu.memory_space<vmem>>) target_semaphore(%run_scoped3A_1043 : memref<!tpu.dma_semaphore, #tpu.memory_space<semaphore_mem>>)
      %dma_wait3A_1052 = arith.constant 0 : i32
      %dma_wait3A_1053 = tpu.memref_slice %arg9[%run_scoped3A_7, %dma_wait3A_1052] : memref<4x128xi32, #tpu.memory_space<vmem>> -> memref<1x128xi32, #tpu.memory_space<vmem>>
      %dma_wait3A_1054 = tpu.memref_squeeze %dma_wait3A_1053 : memref<1x128xi32, #tpu.memory_space<vmem>> -> memref<128xi32, #tpu.memory_space<vmem>>
      %dma_wait3A_1055 = tpu.memref_slice %arg3[%add3A_6] : memref<16384xi32, #tpu.memory_space<hbm>> -> memref<128xi32, #tpu.memory_space<hbm>>
      %dma_wait3A_1056 = arith.constant 0 : i32
      %dma_wait3A_1057 = tpu.memref_slice %arg9[%run_scoped3A_7, %dma_wait3A_1056] : memref<4x128xi32, #tpu.memory_space<vmem>> -> memref<1x128xi32, #tpu.memory_space<vmem>>
      %dma_wait3A_1058 = tpu.memref_squeeze %dma_wait3A_1057 : memref<1x128xi32, #tpu.memory_space<vmem>> -> memref<128xi32, #tpu.memory_space<vmem>>
      %dma_wait3A_1059 = tpu.memref_slice %arg3[%add3A_6] : memref<16384xi32, #tpu.memory_space<hbm>> -> memref<128xi32, #tpu.memory_space<hbm>>
      tpu.wait_dma2 semaphore(%run_scoped3A_1043 : memref<!tpu.dma_semaphore, #tpu.memory_space<semaphore_mem>>) src(%dma_wait3A_1059 : memref<128xi32, #tpu.memory_space<hbm>>) dst(%dma_wait3A_1058 : memref<128xi32, #tpu.memory_space<vmem>>)
      tpu.yield
    }) : () -> ()
    %add3A_8 = arith.constant 0 : i32
    %add3A_9 = arith.addi %multiple_of3A, %add3A_8 : i32
    %run_scoped3A_10 = arith.constant 0 : i32
    "tpu.region"() ({
      %run_scoped3A_1043 = tpu.sem_alloc : memref<!tpu.dma_semaphore, #tpu.memory_space<semaphore_mem>>
      %dma_start3A_1044 = arith.constant 0 : i32
      %dma_start3A_1045 = tpu.memref_slice %arg10[%run_scoped3A_10, %dma_start3A_1044] : memref<4x128xi32, #tpu.memory_space<vmem>> -> memref<1x128xi32, #tpu.memory_space<vmem>>
      %dma_start3A_1046 = tpu.memref_squeeze %dma_start3A_1045 : memref<1x128xi32, #tpu.memory_space<vmem>> -> memref<128xi32, #tpu.memory_space<vmem>>
      %dma_start3A_1047 = tpu.memref_slice %arg4[%add3A_9] : memref<16384xi32, #tpu.memory_space<hbm>> -> memref<128xi32, #tpu.memory_space<hbm>>
      %dma_start3A_1048 = arith.constant 0 : i32
      %dma_start3A_1049 = tpu.memref_slice %arg10[%run_scoped3A_10, %dma_start3A_1048] : memref<4x128xi32, #tpu.memory_space<vmem>> -> memref<1x128xi32, #tpu.memory_space<vmem>>
      %dma_start3A_1050 = tpu.memref_squeeze %dma_start3A_1049 : memref<1x128xi32, #tpu.memory_space<vmem>> -> memref<128xi32, #tpu.memory_space<vmem>>
      %dma_start3A_1051 = tpu.memref_slice %arg4[%add3A_9] : memref<16384xi32, #tpu.memory_space<hbm>> -> memref<128xi32, #tpu.memory_space<hbm>>
      tpu.enqueue_dma source(%dma_start3A_1051 : memref<128xi32, #tpu.memory_space<hbm>>) target(%dma_start3A_1050 : memref<128xi32, #tpu.memory_space<vmem>>) target_semaphore(%run_scoped3A_1043 : memref<!tpu.dma_semaphore, #tpu.memory_space<semaphore_mem>>)
      %dma_wait3A_1052 = arith.constant 0 : i32
      %dma_wait3A_1053 = tpu.memref_slice %arg10[%run_scoped3A_10, %dma_wait3A_1052] : memref<4x128xi32, #tpu.memory_space<vmem>> -> memref<1x128xi32, #tpu.memory_space<vmem>>
      %dma_wait3A_1054 = tpu.memref_squeeze %dma_wait3A_1053 : memref<1x128xi32, #tpu.memory_space<vmem>> -> memref<128xi32, #tpu.memory_space<vmem>>
      %dma_wait3A_1055 = tpu.memref_slice %arg4[%add3A_9] : memref<16384xi32, #tpu.memory_space<hbm>> -> memref<128xi32, #tpu.memory_space<hbm>>
      %dma_wait3A_1056 = arith.constant 0 : i32
      %dma_wait3A_1057 = tpu.memref_slice %arg10[%run_scoped3A_10, %dma_wait3A_1056] : memref<4x128xi32, #tpu.memory_space<vmem>> -> memref<1x128xi32, #tpu.memory_space<vmem>>
      %dma_wait3A_1058 = tpu.memref_squeeze %dma_wait3A_1057 : memref<1x128xi32, #tpu.memory_space<vmem>> -> memref<128xi32, #tpu.memory_space<vmem>>
      %dma_wait3A_1059 = tpu.memref_slice %arg4[%add3A_9] : memref<16384xi32, #tpu.memory_space<hbm>> -> memref<128xi32, #tpu.memory_space<hbm>>
      tpu.wait_dma2 semaphore(%run_scoped3A_1043 : memref<!tpu.dma_semaphore, #tpu.memory_space<semaphore_mem>>) src(%dma_wait3A_1059 : memref<128xi32, #tpu.memory_space<hbm>>) dst(%dma_wait3A_1058 : memref<128xi32, #tpu.memory_space<vmem>>)
      tpu.yield
    }) : () -> ()
    %add3A_11 = arith.constant 128 : i32
    %add3A_12 = arith.addi %multiple_of3A, %add3A_11 : i32
    %run_scoped3A_13 = arith.constant 1 : i32
    "tpu.region"() ({
      %run_scoped3A_1043 = tpu.sem_alloc : memref<!tpu.dma_semaphore, #tpu.memory_space<semaphore_mem>>
      %dma_start3A_1044 = arith.constant 0 : i32
      %dma_start3A_1045 = tpu.memref_slice %arg8[%run_scoped3A_13, %dma_start3A_1044] : memref<4x128xi32, #tpu.memory_space<vmem>> -> memref<1x128xi32, #tpu.memory_space<vmem>>
      %dma_start3A_1046 = tpu.memref_squeeze %dma_start3A_1045 : memref<1x128xi32, #tpu.memory_space<vmem>> -> memref<128xi32, #tpu.memory_space<vmem>>
      %dma_start3A_1047 = tpu.memref_slice %arg2[%add3A_12] : memref<16384xi32, #tpu.memory_space<hbm>> -> memref<128xi32, #tpu.memory_space<hbm>>
      %dma_start3A_1048 = arith.constant 0 : i32
      %dma_start3A_1049 = tpu.memref_slice %arg8[%run_scoped3A_13, %dma_start3A_1048] : memref<4x128xi32, #tpu.memory_space<vmem>> -> memref<1x128xi32, #tpu.memory_space<vmem>>
      %dma_start3A_1050 = tpu.memref_squeeze %dma_start3A_1049 : memref<1x128xi32, #tpu.memory_space<vmem>> -> memref<128xi32, #tpu.memory_space<vmem>>
      %dma_start3A_1051 = tpu.memref_slice %arg2[%add3A_12] : memref<16384xi32, #tpu.memory_space<hbm>> -> memref<128xi32, #tpu.memory_space<hbm>>
      tpu.enqueue_dma source(%dma_start3A_1051 : memref<128xi32, #tpu.memory_space<hbm>>) target(%dma_start3A_1050 : memref<128xi32, #tpu.memory_space<vmem>>) target_semaphore(%run_scoped3A_1043 : memref<!tpu.dma_semaphore, #tpu.memory_space<semaphore_mem>>)
      %dma_wait3A_1052 = arith.constant 0 : i32
      %dma_wait3A_1053 = tpu.memref_slice %arg8[%run_scoped3A_13, %dma_wait3A_1052] : memref<4x128xi32, #tpu.memory_space<vmem>> -> memref<1x128xi32, #tpu.memory_space<vmem>>
      %dma_wait3A_1054 = tpu.memref_squeeze %dma_wait3A_1053 : memref<1x128xi32, #tpu.memory_space<vmem>> -> memref<128xi32, #tpu.memory_space<vmem>>
      %dma_wait3A_1055 = tpu.memref_slice %arg2[%add3A_12] : memref<16384xi32, #tpu.memory_space<hbm>> -> memref<128xi32, #tpu.memory_space<hbm>>
      %dma_wait3A_1056 = arith.constant 0 : i32
      %dma_wait3A_1057 = tpu.memref_slice %arg8[%run_scoped3A_13, %dma_wait3A_1056] : memref<4x128xi32, #tpu.memory_space<vmem>> -> memref<1x128xi32, #tpu.memory_space<vmem>>
      %dma_wait3A_1058 = tpu.memref_squeeze %dma_wait3A_1057 : memref<1x128xi32, #tpu.memory_space<vmem>> -> memref<128xi32, #tpu.memory_space<vmem>>
      %dma_wait3A_1059 = tpu.memref_slice %arg2[%add3A_12] : memref<16384xi32, #tpu.memory_space<hbm>> -> memref<128xi32, #tpu.memory_space<hbm>>
      tpu.wait_dma2 semaphore(%run_scoped3A_1043 : memref<!tpu.dma_semaphore, #tpu.memory_space<semaphore_mem>>) src(%dma_wait3A_1059 : memref<128xi32, #tpu.memory_space<hbm>>) dst(%dma_wait3A_1058 : memref<128xi32, #tpu.memory_space<vmem>>)
      tpu.yield
    }) : () -> ()
    %add3A_14 = arith.constant 128 : i32
    %add3A_15 = arith.addi %multiple_of3A, %add3A_14 : i32
    %run_scoped3A_16 = arith.constant 1 : i32
    "tpu.region"() ({
      %run_scoped3A_1043 = tpu.sem_alloc : memref<!tpu.dma_semaphore, #tpu.memory_space<semaphore_mem>>
      %dma_start3A_1044 = arith.constant 0 : i32
      %dma_start3A_1045 = tpu.memref_slice %arg9[%run_scoped3A_16, %dma_start3A_1044] : memref<4x128xi32, #tpu.memory_space<vmem>> -> memref<1x128xi32, #tpu.memory_space<vmem>>
      %dma_start3A_1046 = tpu.memref_squeeze %dma_start3A_1045 : memref<1x128xi32, #tpu.memory_space<vmem>> -> memref<128xi32, #tpu.memory_space<vmem>>
      %dma_start3A_1047 = tpu.memref_slice %arg3[%add3A_15] : memref<16384xi32, #tpu.memory_space<hbm>> -> memref<128xi32, #tpu.memory_space<hbm>>
      %dma_start3A_1048 = arith.constant 0 : i32
      %dma_start3A_1049 = tpu.memref_slice %arg9[%run_scoped3A_16, %dma_start3A_1048] : memref<4x128xi32, #tpu.memory_space<vmem>> -> memref<1x128xi32, #tpu.memory_space<vmem>>
      %dma_start3A_1050 = tpu.memref_squeeze %dma_start3A_1049 : memref<1x128xi32, #tpu.memory_space<vmem>> -> memref<128xi32, #tpu.memory_space<vmem>>
      %dma_start3A_1051 = tpu.memref_slice %arg3[%add3A_15] : memref<16384xi32, #tpu.memory_space<hbm>> -> memref<128xi32, #tpu.memory_space<hbm>>
      tpu.enqueue_dma source(%dma_start3A_1051 : memref<128xi32, #tpu.memory_space<hbm>>) target(%dma_start3A_1050 : memref<128xi32, #tpu.memory_space<vmem>>) target_semaphore(%run_scoped3A_1043 : memref<!tpu.dma_semaphore, #tpu.memory_space<semaphore_mem>>)
      %dma_wait3A_1052 = arith.constant 0 : i32
      %dma_wait3A_1053 = tpu.memref_slice %arg9[%run_scoped3A_16, %dma_wait3A_1052] : memref<4x128xi32, #tpu.memory_space<vmem>> -> memref<1x128xi32, #tpu.memory_space<vmem>>
      %dma_wait3A_1054 = tpu.memref_squeeze %dma_wait3A_1053 : memref<1x128xi32, #tpu.memory_space<vmem>> -> memref<128xi32, #tpu.memory_space<vmem>>
      %dma_wait3A_1055 = tpu.memref_slice %arg3[%add3A_15] : memref<16384xi32, #tpu.memory_space<hbm>> -> memref<128xi32, #tpu.memory_space<hbm>>
      %dma_wait3A_1056 = arith.constant 0 : i32
      %dma_wait3A_1057 = tpu.memref_slice %arg9[%run_scoped3A_16, %dma_wait3A_1056] : memref<4x128xi32, #tpu.memory_space<vmem>> -> memref<1x128xi32, #tpu.memory_space<vmem>>
      %dma_wait3A_1058 = tpu.memref_squeeze %dma_wait3A_1057 : memref<1x128xi32, #tpu.memory_space<vmem>> -> memref<128xi32, #tpu.memory_space<vmem>>
      %dma_wait3A_1059 = tpu.memref_slice %arg3[%add3A_15] : memref<16384xi32, #tpu.memory_space<hbm>> -> memref<128xi32, #tpu.memory_space<hbm>>
      tpu.wait_dma2 semaphore(%run_scoped3A_1043 : memref<!tpu.dma_semaphore, #tpu.memory_space<semaphore_mem>>) src(%dma_wait3A_1059 : memref<128xi32, #tpu.memory_space<hbm>>) dst(%dma_wait3A_1058 : memref<128xi32, #tpu.memory_space<vmem>>)
      tpu.yield
    }) : () -> ()
    %add3A_17 = arith.constant 128 : i32
    %add3A_18 = arith.addi %multiple_of3A, %add3A_17 : i32
    %run_scoped3A_19 = arith.constant 1 : i32
    "tpu.region"() ({
      %run_scoped3A_1043 = tpu.sem_alloc : memref<!tpu.dma_semaphore, #tpu.memory_space<semaphore_mem>>
      %dma_start3A_1044 = arith.constant 0 : i32
      %dma_start3A_1045 = tpu.memref_slice %arg10[%run_scoped3A_19, %dma_start3A_1044] : memref<4x128xi32, #tpu.memory_space<vmem>> -> memref<1x128xi32, #tpu.memory_space<vmem>>
      %dma_start3A_1046 = tpu.memref_squeeze %dma_start3A_1045 : memref<1x128xi32, #tpu.memory_space<vmem>> -> memref<128xi32, #tpu.memory_space<vmem>>
      %dma_start3A_1047 = tpu.memref_slice %arg4[%add3A_18] : memref<16384xi32, #tpu.memory_space<hbm>> -> memref<128xi32, #tpu.memory_space<hbm>>
      %dma_start3A_1048 = arith.constant 0 : i32
      %dma_start3A_1049 = tpu.memref_slice %arg10[%run_scoped3A_19, %dma_start3A_1048] : memref<4x128xi32, #tpu.memory_space<vmem>> -> memref<1x128xi32, #tpu.memory_space<vmem>>
      %dma_start3A_1050 = tpu.memref_squeeze %dma_start3A_1049 : memref<1x128xi32, #tpu.memory_space<vmem>> -> memref<128xi32, #tpu.memory_space<vmem>>
      %dma_start3A_1051 = tpu.memref_slice %arg4[%add3A_18] : memref<16384xi32, #tpu.memory_space<hbm>> -> memref<128xi32, #tpu.memory_space<hbm>>
      tpu.enqueue_dma source(%dma_start3A_1051 : memref<128xi32, #tpu.memory_space<hbm>>) target(%dma_start3A_1050 : memref<128xi32, #tpu.memory_space<vmem>>) target_semaphore(%run_scoped3A_1043 : memref<!tpu.dma_semaphore, #tpu.memory_space<semaphore_mem>>)
      %dma_wait3A_1052 = arith.constant 0 : i32
      %dma_wait3A_1053 = tpu.memref_slice %arg10[%run_scoped3A_19, %dma_wait3A_1052] : memref<4x128xi32, #tpu.memory_space<vmem>> -> memref<1x128xi32, #tpu.memory_space<vmem>>
      %dma_wait3A_1054 = tpu.memref_squeeze %dma_wait3A_1053 : memref<1x128xi32, #tpu.memory_space<vmem>> -> memref<128xi32, #tpu.memory_space<vmem>>
      %dma_wait3A_1055 = tpu.memref_slice %arg4[%add3A_18] : memref<16384xi32, #tpu.memory_space<hbm>> -> memref<128xi32, #tpu.memory_space<hbm>>
      %dma_wait3A_1056 = arith.constant 0 : i32
      %dma_wait3A_1057 = tpu.memref_slice %arg10[%run_scoped3A_19, %dma_wait3A_1056] : memref<4x128xi32, #tpu.memory_space<vmem>> -> memref<1x128xi32, #tpu.memory_space<vmem>>
      %dma_wait3A_1058 = tpu.memref_squeeze %dma_wait3A_1057 : memref<1x128xi32, #tpu.memory_space<vmem>> -> memref<128xi32, #tpu.memory_space<vmem>>
      %dma_wait3A_1059 = tpu.memref_slice %arg4[%add3A_18] : memref<16384xi32, #tpu.memory_space<hbm>> -> memref<128xi32, #tpu.memory_space<hbm>>
      tpu.wait_dma2 semaphore(%run_scoped3A_1043 : memref<!tpu.dma_semaphore, #tpu.memory_space<semaphore_mem>>) src(%dma_wait3A_1059 : memref<128xi32, #tpu.memory_space<hbm>>) dst(%dma_wait3A_1058 : memref<128xi32, #tpu.memory_space<vmem>>)
      tpu.yield
    }) : () -> ()
    %add3A_20 = arith.constant 256 : i32
    %add3A_21 = arith.addi %multiple_of3A, %add3A_20 : i32
    %run_scoped3A_22 = arith.constant 2 : i32
    "tpu.region"() ({
      %run_scoped3A_1043 = tpu.sem_alloc : memref<!tpu.dma_semaphore, #tpu.memory_space<semaphore_mem>>
      %dma_start3A_1044 = arith.constant 0 : i32
      %dma_start3A_1045 = tpu.memref_slice %arg8[%run_scoped3A_22, %dma_start3A_1044] : memref<4x128xi32, #tpu.memory_space<vmem>> -> memref<1x128xi32, #tpu.memory_space<vmem>>
      %dma_start3A_1046 = tpu.memref_squeeze %dma_start3A_1045 : memref<1x128xi32, #tpu.memory_space<vmem>> -> memref<128xi32, #tpu.memory_space<vmem>>
      %dma_start3A_1047 = tpu.memref_slice %arg2[%add3A_21] : memref<16384xi32, #tpu.memory_space<hbm>> -> memref<128xi32, #tpu.memory_space<hbm>>
      %dma_start3A_1048 = arith.constant 0 : i32
      %dma_start3A_1049 = tpu.memref_slice %arg8[%run_scoped3A_22, %dma_start3A_1048] : memref<4x128xi32, #tpu.memory_space<vmem>> -> memref<1x128xi32, #tpu.memory_space<vmem>>
      %dma_start3A_1050 = tpu.memref_squeeze %dma_start3A_1049 : memref<1x128xi32, #tpu.memory_space<vmem>> -> memref<128xi32, #tpu.memory_space<vmem>>
      %dma_start3A_1051 = tpu.memref_slice %arg2[%add3A_21] : memref<16384xi32, #tpu.memory_space<hbm>> -> memref<128xi32, #tpu.memory_space<hbm>>
      tpu.enqueue_dma source(%dma_start3A_1051 : memref<128xi32, #tpu.memory_space<hbm>>) target(%dma_start3A_1050 : memref<128xi32, #tpu.memory_space<vmem>>) target_semaphore(%run_scoped3A_1043 : memref<!tpu.dma_semaphore, #tpu.memory_space<semaphore_mem>>)
      %dma_wait3A_1052 = arith.constant 0 : i32
      %dma_wait3A_1053 = tpu.memref_slice %arg8[%run_scoped3A_22, %dma_wait3A_1052] : memref<4x128xi32, #tpu.memory_space<vmem>> -> memref<1x128xi32, #tpu.memory_space<vmem>>
      %dma_wait3A_1054 = tpu.memref_squeeze %dma_wait3A_1053 : memref<1x128xi32, #tpu.memory_space<vmem>> -> memref<128xi32, #tpu.memory_space<vmem>>
      %dma_wait3A_1055 = tpu.memref_slice %arg2[%add3A_21] : memref<16384xi32, #tpu.memory_space<hbm>> -> memref<128xi32, #tpu.memory_space<hbm>>
      %dma_wait3A_1056 = arith.constant 0 : i32
      %dma_wait3A_1057 = tpu.memref_slice %arg8[%run_scoped3A_22, %dma_wait3A_1056] : memref<4x128xi32, #tpu.memory_space<vmem>> -> memref<1x128xi32, #tpu.memory_space<vmem>>
      %dma_wait3A_1058 = tpu.memref_squeeze %dma_wait3A_1057 : memref<1x128xi32, #tpu.memory_space<vmem>> -> memref<128xi32, #tpu.memory_space<vmem>>
      %dma_wait3A_1059 = tpu.memref_slice %arg2[%add3A_21] : memref<16384xi32, #tpu.memory_space<hbm>> -> memref<128xi32, #tpu.memory_space<hbm>>
      tpu.wait_dma2 semaphore(%run_scoped3A_1043 : memref<!tpu.dma_semaphore, #tpu.memory_space<semaphore_mem>>) src(%dma_wait3A_1059 : memref<128xi32, #tpu.memory_space<hbm>>) dst(%dma_wait3A_1058 : memref<128xi32, #tpu.memory_space<vmem>>)
      tpu.yield
    }) : () -> ()
    %add3A_23 = arith.constant 256 : i32
    %add3A_24 = arith.addi %multiple_of3A, %add3A_23 : i32
    %run_scoped3A_25 = arith.constant 2 : i32
    "tpu.region"() ({
      %run_scoped3A_1043 = tpu.sem_alloc : memref<!tpu.dma_semaphore, #tpu.memory_space<semaphore_mem>>
      %dma_start3A_1044 = arith.constant 0 : i32
      %dma_start3A_1045 = tpu.memref_slice %arg9[%run_scoped3A_25, %dma_start3A_1044] : memref<4x128xi32, #tpu.memory_space<vmem>> -> memref<1x128xi32, #tpu.memory_space<vmem>>
      %dma_start3A_1046 = tpu.memref_squeeze %dma_start3A_1045 : memref<1x128xi32, #tpu.memory_space<vmem>> -> memref<128xi32, #tpu.memory_space<vmem>>
      %dma_start3A_1047 = tpu.memref_slice %arg3[%add3A_24] : memref<16384xi32, #tpu.memory_space<hbm>> -> memref<128xi32, #tpu.memory_space<hbm>>
      %dma_start3A_1048 = arith.constant 0 : i32
      %dma_start3A_1049 = tpu.memref_slice %arg9[%run_scoped3A_25, %dma_start3A_1048] : memref<4x128xi32, #tpu.memory_space<vmem>> -> memref<1x128xi32, #tpu.memory_space<vmem>>
      %dma_start3A_1050 = tpu.memref_squeeze %dma_start3A_1049 : memref<1x128xi32, #tpu.memory_space<vmem>> -> memref<128xi32, #tpu.memory_space<vmem>>
      %dma_start3A_1051 = tpu.memref_slice %arg3[%add3A_24] : memref<16384xi32, #tpu.memory_space<hbm>> -> memref<128xi32, #tpu.memory_space<hbm>>
      tpu.enqueue_dma source(%dma_start3A_1051 : memref<128xi32, #tpu.memory_space<hbm>>) target(%dma_start3A_1050 : memref<128xi32, #tpu.memory_space<vmem>>) target_semaphore(%run_scoped3A_1043 : memref<!tpu.dma_semaphore, #tpu.memory_space<semaphore_mem>>)
      %dma_wait3A_1052 = arith.constant 0 : i32
      %dma_wait3A_1053 = tpu.memref_slice %arg9[%run_scoped3A_25, %dma_wait3A_1052] : memref<4x128xi32, #tpu.memory_space<vmem>> -> memref<1x128xi32, #tpu.memory_space<vmem>>
      %dma_wait3A_1054 = tpu.memref_squeeze %dma_wait3A_1053 : memref<1x128xi32, #tpu.memory_space<vmem>> -> memref<128xi32, #tpu.memory_space<vmem>>
      %dma_wait3A_1055 = tpu.memref_slice %arg3[%add3A_24] : memref<16384xi32, #tpu.memory_space<hbm>> -> memref<128xi32, #tpu.memory_space<hbm>>
      %dma_wait3A_1056 = arith.constant 0 : i32
      %dma_wait3A_1057 = tpu.memref_slice %arg9[%run_scoped3A_25, %dma_wait3A_1056] : memref<4x128xi32, #tpu.memory_space<vmem>> -> memref<1x128xi32, #tpu.memory_space<vmem>>
      %dma_wait3A_1058 = tpu.memref_squeeze %dma_wait3A_1057 : memref<1x128xi32, #tpu.memory_space<vmem>> -> memref<128xi32, #tpu.memory_space<vmem>>
      %dma_wait3A_1059 = tpu.memref_slice %arg3[%add3A_24] : memref<16384xi32, #tpu.memory_space<hbm>> -> memref<128xi32, #tpu.memory_space<hbm>>
      tpu.wait_dma2 semaphore(%run_scoped3A_1043 : memref<!tpu.dma_semaphore, #tpu.memory_space<semaphore_mem>>) src(%dma_wait3A_1059 : memref<128xi32, #tpu.memory_space<hbm>>) dst(%dma_wait3A_1058 : memref<128xi32, #tpu.memory_space<vmem>>)
      tpu.yield
    }) : () -> ()
    %add3A_26 = arith.constant 256 : i32
    %add3A_27 = arith.addi %multiple_of3A, %add3A_26 : i32
    %run_scoped3A_28 = arith.constant 2 : i32
    "tpu.region"() ({
      %run_scoped3A_1043 = tpu.sem_alloc : memref<!tpu.dma_semaphore, #tpu.memory_space<semaphore_mem>>
      %dma_start3A_1044 = arith.constant 0 : i32
      %dma_start3A_1045 = tpu.memref_slice %arg10[%run_scoped3A_28, %dma_start3A_1044] : memref<4x128xi32, #tpu.memory_space<vmem>> -> memref<1x128xi32, #tpu.memory_space<vmem>>
      %dma_start3A_1046 = tpu.memref_squeeze %dma_start3A_1045 : memref<1x128xi32, #tpu.memory_space<vmem>> -> memref<128xi32, #tpu.memory_space<vmem>>
      %dma_start3A_1047 = tpu.memref_slice %arg4[%add3A_27] : memref<16384xi32, #tpu.memory_space<hbm>> -> memref<128xi32, #tpu.memory_space<hbm>>
      %dma_start3A_1048 = arith.constant 0 : i32
      %dma_start3A_1049 = tpu.memref_slice %arg10[%run_scoped3A_28, %dma_start3A_1048] : memref<4x128xi32, #tpu.memory_space<vmem>> -> memref<1x128xi32, #tpu.memory_space<vmem>>
      %dma_start3A_1050 = tpu.memref_squeeze %dma_start3A_1049 : memref<1x128xi32, #tpu.memory_space<vmem>> -> memref<128xi32, #tpu.memory_space<vmem>>
      %dma_start3A_1051 = tpu.memref_slice %arg4[%add3A_27] : memref<16384xi32, #tpu.memory_space<hbm>> -> memref<128xi32, #tpu.memory_space<hbm>>
      tpu.enqueue_dma source(%dma_start3A_1051 : memref<128xi32, #tpu.memory_space<hbm>>) target(%dma_start3A_1050 : memref<128xi32, #tpu.memory_space<vmem>>) target_semaphore(%run_scoped3A_1043 : memref<!tpu.dma_semaphore, #tpu.memory_space<semaphore_mem>>)
      %dma_wait3A_1052 = arith.constant 0 : i32
      %dma_wait3A_1053 = tpu.memref_slice %arg10[%run_scoped3A_28, %dma_wait3A_1052] : memref<4x128xi32, #tpu.memory_space<vmem>> -> memref<1x128xi32, #tpu.memory_space<vmem>>
      %dma_wait3A_1054 = tpu.memref_squeeze %dma_wait3A_1053 : memref<1x128xi32, #tpu.memory_space<vmem>> -> memref<128xi32, #tpu.memory_space<vmem>>
      %dma_wait3A_1055 = tpu.memref_slice %arg4[%add3A_27] : memref<16384xi32, #tpu.memory_space<hbm>> -> memref<128xi32, #tpu.memory_space<hbm>>
      %dma_wait3A_1056 = arith.constant 0 : i32
      %dma_wait3A_1057 = tpu.memref_slice %arg10[%run_scoped3A_28, %dma_wait3A_1056] : memref<4x128xi32, #tpu.memory_space<vmem>> -> memref<1x128xi32, #tpu.memory_space<vmem>>
      %dma_wait3A_1058 = tpu.memref_squeeze %dma_wait3A_1057 : memref<1x128xi32, #tpu.memory_space<vmem>> -> memref<128xi32, #tpu.memory_space<vmem>>
      %dma_wait3A_1059 = tpu.memref_slice %arg4[%add3A_27] : memref<16384xi32, #tpu.memory_space<hbm>> -> memref<128xi32, #tpu.memory_space<hbm>>
      tpu.wait_dma2 semaphore(%run_scoped3A_1043 : memref<!tpu.dma_semaphore, #tpu.memory_space<semaphore_mem>>) src(%dma_wait3A_1059 : memref<128xi32, #tpu.memory_space<hbm>>) dst(%dma_wait3A_1058 : memref<128xi32, #tpu.memory_space<vmem>>)
      tpu.yield
    }) : () -> ()
    %add3A_29 = arith.constant 384 : i32
    %add3A_30 = arith.addi %multiple_of3A, %add3A_29 : i32
    %run_scoped3A_31 = arith.constant 3 : i32
    "tpu.region"() ({
      %run_scoped3A_1043 = tpu.sem_alloc : memref<!tpu.dma_semaphore, #tpu.memory_space<semaphore_mem>>
      %dma_start3A_1044 = arith.constant 0 : i32
      %dma_start3A_1045 = tpu.memref_slice %arg8[%run_scoped3A_31, %dma_start3A_1044] : memref<4x128xi32, #tpu.memory_space<vmem>> -> memref<1x128xi32, #tpu.memory_space<vmem>>
      %dma_start3A_1046 = tpu.memref_squeeze %dma_start3A_1045 : memref<1x128xi32, #tpu.memory_space<vmem>> -> memref<128xi32, #tpu.memory_space<vmem>>
      %dma_start3A_1047 = tpu.memref_slice %arg2[%add3A_30] : memref<16384xi32, #tpu.memory_space<hbm>> -> memref<128xi32, #tpu.memory_space<hbm>>
      %dma_start3A_1048 = arith.constant 0 : i32
      %dma_start3A_1049 = tpu.memref_slice %arg8[%run_scoped3A_31, %dma_start3A_1048] : memref<4x128xi32, #tpu.memory_space<vmem>> -> memref<1x128xi32, #tpu.memory_space<vmem>>
      %dma_start3A_1050 = tpu.memref_squeeze %dma_start3A_1049 : memref<1x128xi32, #tpu.memory_space<vmem>> -> memref<128xi32, #tpu.memory_space<vmem>>
      %dma_start3A_1051 = tpu.memref_slice %arg2[%add3A_30] : memref<16384xi32, #tpu.memory_space<hbm>> -> memref<128xi32, #tpu.memory_space<hbm>>
      tpu.enqueue_dma source(%dma_start3A_1051 : memref<128xi32, #tpu.memory_space<hbm>>) target(%dma_start3A_1050 : memref<128xi32, #tpu.memory_space<vmem>>) target_semaphore(%run_scoped3A_1043 : memref<!tpu.dma_semaphore, #tpu.memory_space<semaphore_mem>>)
      %dma_wait3A_1052 = arith.constant 0 : i32
      %dma_wait3A_1053 = tpu.memref_slice %arg8[%run_scoped3A_31, %dma_wait3A_1052] : memref<4x128xi32, #tpu.memory_space<vmem>> -> memref<1x128xi32, #tpu.memory_space<vmem>>
      %dma_wait3A_1054 = tpu.memref_squeeze %dma_wait3A_1053 : memref<1x128xi32, #tpu.memory_space<vmem>> -> memref<128xi32, #tpu.memory_space<vmem>>
      %dma_wait3A_1055 = tpu.memref_slice %arg2[%add3A_30] : memref<16384xi32, #tpu.memory_space<hbm>> -> memref<128xi32, #tpu.memory_space<hbm>>
      %dma_wait3A_1056 = arith.constant 0 : i32
      %dma_wait3A_1057 = tpu.memref_slice %arg8[%run_scoped3A_31, %dma_wait3A_1056] : memref<4x128xi32, #tpu.memory_space<vmem>> -> memref<1x128xi32, #tpu.memory_space<vmem>>
      %dma_wait3A_1058 = tpu.memref_squeeze %dma_wait3A_1057 : memref<1x128xi32, #tpu.memory_space<vmem>> -> memref<128xi32, #tpu.memory_space<vmem>>
      %dma_wait3A_1059 = tpu.memref_slice %arg2[%add3A_30] : memref<16384xi32, #tpu.memory_space<hbm>> -> memref<128xi32, #tpu.memory_space<hbm>>
      tpu.wait_dma2 semaphore(%run_scoped3A_1043 : memref<!tpu.dma_semaphore, #tpu.memory_space<semaphore_mem>>) src(%dma_wait3A_1059 : memref<128xi32, #tpu.memory_space<hbm>>) dst(%dma_wait3A_1058 : memref<128xi32, #tpu.memory_space<vmem>>)
      tpu.yield
    }) : () -> ()
    %add3A_32 = arith.constant 384 : i32
    %add3A_33 = arith.addi %multiple_of3A, %add3A_32 : i32
    %run_scoped3A_34 = arith.constant 3 : i32
    "tpu.region"() ({
      %run_scoped3A_1043 = tpu.sem_alloc : memref<!tpu.dma_semaphore, #tpu.memory_space<semaphore_mem>>
      %dma_start3A_1044 = arith.constant 0 : i32
      %dma_start3A_1045 = tpu.memref_slice %arg9[%run_scoped3A_34, %dma_start3A_1044] : memref<4x128xi32, #tpu.memory_space<vmem>> -> memref<1x128xi32, #tpu.memory_space<vmem>>
      %dma_start3A_1046 = tpu.memref_squeeze %dma_start3A_1045 : memref<1x128xi32, #tpu.memory_space<vmem>> -> memref<128xi32, #tpu.memory_space<vmem>>
      %dma_start3A_1047 = tpu.memref_slice %arg3[%add3A_33] : memref<16384xi32, #tpu.memory_space<hbm>> -> memref<128xi32, #tpu.memory_space<hbm>>
      %dma_start3A_1048 = arith.constant 0 : i32
      %dma_start3A_1049 = tpu.memref_slice %arg9[%run_scoped3A_34, %dma_start3A_1048] : memref<4x128xi32, #tpu.memory_space<vmem>> -> memref<1x128xi32, #tpu.memory_space<vmem>>
      %dma_start3A_1050 = tpu.memref_squeeze %dma_start3A_1049 : memref<1x128xi32, #tpu.memory_space<vmem>> -> memref<128xi32, #tpu.memory_space<vmem>>
      %dma_start3A_1051 = tpu.memref_slice %arg3[%add3A_33] : memref<16384xi32, #tpu.memory_space<hbm>> -> memref<128xi32, #tpu.memory_space<hbm>>
      tpu.enqueue_dma source(%dma_start3A_1051 : memref<128xi32, #tpu.memory_space<hbm>>) target(%dma_start3A_1050 : memref<128xi32, #tpu.memory_space<vmem>>) target_semaphore(%run_scoped3A_1043 : memref<!tpu.dma_semaphore, #tpu.memory_space<semaphore_mem>>)
      %dma_wait3A_1052 = arith.constant 0 : i32
      %dma_wait3A_1053 = tpu.memref_slice %arg9[%run_scoped3A_34, %dma_wait3A_1052] : memref<4x128xi32, #tpu.memory_space<vmem>> -> memref<1x128xi32, #tpu.memory_space<vmem>>
      %dma_wait3A_1054 = tpu.memref_squeeze %dma_wait3A_1053 : memref<1x128xi32, #tpu.memory_space<vmem>> -> memref<128xi32, #tpu.memory_space<vmem>>
      %dma_wait3A_1055 = tpu.memref_slice %arg3[%add3A_33] : memref<16384xi32, #tpu.memory_space<hbm>> -> memref<128xi32, #tpu.memory_space<hbm>>
      %dma_wait3A_1056 = arith.constant 0 : i32
      %dma_wait3A_1057 = tpu.memref_slice %arg9[%run_scoped3A_34, %dma_wait3A_1056] : memref<4x128xi32, #tpu.memory_space<vmem>> -> memref<1x128xi32, #tpu.memory_space<vmem>>
      %dma_wait3A_1058 = tpu.memref_squeeze %dma_wait3A_1057 : memref<1x128xi32, #tpu.memory_space<vmem>> -> memref<128xi32, #tpu.memory_space<vmem>>
      %dma_wait3A_1059 = tpu.memref_slice %arg3[%add3A_33] : memref<16384xi32, #tpu.memory_space<hbm>> -> memref<128xi32, #tpu.memory_space<hbm>>
      tpu.wait_dma2 semaphore(%run_scoped3A_1043 : memref<!tpu.dma_semaphore, #tpu.memory_space<semaphore_mem>>) src(%dma_wait3A_1059 : memref<128xi32, #tpu.memory_space<hbm>>) dst(%dma_wait3A_1058 : memref<128xi32, #tpu.memory_space<vmem>>)
      tpu.yield
    }) : () -> ()
    %add3A_35 = arith.constant 384 : i32
    %add3A_36 = arith.addi %multiple_of3A, %add3A_35 : i32
    %run_scoped3A_37 = arith.constant 3 : i32
    "tpu.region"() ({
      %run_scoped3A_1043 = tpu.sem_alloc : memref<!tpu.dma_semaphore, #tpu.memory_space<semaphore_mem>>
      %dma_start3A_1044 = arith.constant 0 : i32
      %dma_start3A_1045 = tpu.memref_slice %arg10[%run_scoped3A_37, %dma_start3A_1044] : memref<4x128xi32, #tpu.memory_space<vmem>> -> memref<1x128xi32, #tpu.memory_space<vmem>>
      %dma_start3A_1046 = tpu.memref_squeeze %dma_start3A_1045 : memref<1x128xi32, #tpu.memory_space<vmem>> -> memref<128xi32, #tpu.memory_space<vmem>>
      %dma_start3A_1047 = tpu.memref_slice %arg4[%add3A_36] : memref<16384xi32, #tpu.memory_space<hbm>> -> memref<128xi32, #tpu.memory_space<hbm>>
      %dma_start3A_1048 = arith.constant 0 : i32
      %dma_start3A_1049 = tpu.memref_slice %arg10[%run_scoped3A_37, %dma_start3A_1048] : memref<4x128xi32, #tpu.memory_space<vmem>> -> memref<1x128xi32, #tpu.memory_space<vmem>>
      %dma_start3A_1050 = tpu.memref_squeeze %dma_start3A_1049 : memref<1x128xi32, #tpu.memory_space<vmem>> -> memref<128xi32, #tpu.memory_space<vmem>>
      %dma_start3A_1051 = tpu.memref_slice %arg4[%add3A_36] : memref<16384xi32, #tpu.memory_space<hbm>> -> memref<128xi32, #tpu.memory_space<hbm>>
      tpu.enqueue_dma source(%dma_start3A_1051 : memref<128xi32, #tpu.memory_space<hbm>>) target(%dma_start3A_1050 : memref<128xi32, #tpu.memory_space<vmem>>) target_semaphore(%run_scoped3A_1043 : memref<!tpu.dma_semaphore, #tpu.memory_space<semaphore_mem>>)
      %dma_wait3A_1052 = arith.constant 0 : i32
      %dma_wait3A_1053 = tpu.memref_slice %arg10[%run_scoped3A_37, %dma_wait3A_1052] : memref<4x128xi32, #tpu.memory_space<vmem>> -> memref<1x128xi32, #tpu.memory_space<vmem>>
      %dma_wait3A_1054 = tpu.memref_squeeze %dma_wait3A_1053 : memref<1x128xi32, #tpu.memory_space<vmem>> -> memref<128xi32, #tpu.memory_space<vmem>>
      %dma_wait3A_1055 = tpu.memref_slice %arg4[%add3A_36] : memref<16384xi32, #tpu.memory_space<hbm>> -> memref<128xi32, #tpu.memory_space<hbm>>
      %dma_wait3A_1056 = arith.constant 0 : i32
      %dma_wait3A_1057 = tpu.memref_slice %arg10[%run_scoped3A_37, %dma_wait3A_1056] : memref<4x128xi32, #tpu.memory_space<vmem>> -> memref<1x128xi32, #tpu.memory_space<vmem>>
      %dma_wait3A_1058 = tpu.memref_squeeze %dma_wait3A_1057 : memref<1x128xi32, #tpu.memory_space<vmem>> -> memref<128xi32, #tpu.memory_space<vmem>>
      %dma_wait3A_1059 = tpu.memref_slice %arg4[%add3A_36] : memref<16384xi32, #tpu.memory_space<hbm>> -> memref<128xi32, #tpu.memory_space<hbm>>
      tpu.wait_dma2 semaphore(%run_scoped3A_1043 : memref<!tpu.dma_semaphore, #tpu.memory_space<semaphore_mem>>) src(%dma_wait3A_1059 : memref<128xi32, #tpu.memory_space<hbm>>) dst(%dma_wait3A_1058 : memref<128xi32, #tpu.memory_space<vmem>>)
      tpu.yield
    }) : () -> ()
    %get3A = arith.constant 0 : i32
    %get3A_38 = arith.index_cast %get3A : i32 to index
    %get3A_39 = arith.constant 0 : index
    %get3A_40 = tpu.vector_load %arg9[%get3A_38, %get3A_39] {strides = array<i32>} : memref<4x128xi32, #tpu.memory_space<vmem>>, vector<16xi32>,
    %ge3A = arith.constant 1000 : i32
    %ge3A_41 = vector.broadcast %ge3A : i32 to vector<16xi32>
    %ge3A_42 = arith.cmpi sge, %get3A_40, %ge3A_41 : vector<16xi32>
    %jit3A = arith.constant 1000 : i32
    %jit3A_43 = arith.constant 0 : i32
    %broadcast_in_dim3A = vector.broadcast %jit3A : i32 to vector<16xi32>
    %broadcast_in_dim3A_44 = vector.broadcast %jit3A_43 : i32 to vector<16xi32>
    %select_n3A = arith.select %ge3A_42, %broadcast_in_dim3A, %broadcast_in_dim3A_44 : vector<16xi1>, vector<16xi32>
    %sub3A = arith.subi %get3A_40, %select_n3A : vector<16xi32>
    %swap3A = arith.constant 0 : i32
    %swap3A_45 = arith.index_cast %swap3A : i32 to index
    %swap3A_46 = arith.constant 0 : index
    %swap3A_47 = tpu.vector_load %arg9[%swap3A_45, %swap3A_46] {strides = array<i32>} : memref<4x128xi32, #tpu.memory_space<vmem>>, vector<16xi32>,
    tpu.vector_store %arg9[%swap3A_45, %swap3A_46], %sub3A {strides = array<i32>} : memref<4x128xi32, #tpu.memory_space<vmem>>, vector<16xi32>,
    %jit3A_48 = arith.constant -1.000000e+00 : f32
    %jit3A_49 = arith.constant 1.000000e+00 : f32
    %broadcast_in_dim3A_50 = vector.broadcast %jit3A_48 : f32 to vector<16xf32>
    %broadcast_in_dim3A_51 = vector.broadcast %jit3A_49 : f32 to vector<16xf32>
    %select_n3A_52 = arith.select %ge3A_42, %broadcast_in_dim3A_50, %broadcast_in_dim3A_51 : vector<16xi1>, vector<16xf32>
    %swap3A_53 = arith.constant 0 : index
    %swap3A_54 = tpu.vector_load %arg11[%swap3A_53] {strides = array<i32>} : memref<512xf32, #tpu.memory_space<vmem>>, vector<16xf32>,
    tpu.vector_store %arg11[%swap3A_53], %select_n3A_52 {strides = array<i32>} : memref<512xf32, #tpu.memory_space<vmem>>, vector<16xf32>,
    %get3A_55 = arith.constant 0 : i32
    %get3A_56 = arith.index_cast %get3A_55 : i32 to index
    %get3A_57 = arith.constant 16 : index
    %get3A_58 = tpu.vector_load %arg9[%get3A_56, %get3A_57] {strides = array<i32>} : memref<4x128xi32, #tpu.memory_space<vmem>>, vector<16xi32>,
    %ge3A_59 = arith.constant 1000 : i32
    %ge3A_60 = vector.broadcast %ge3A_59 : i32 to vector<16xi32>
    %ge3A_61 = arith.cmpi sge, %get3A_58, %ge3A_60 : vector<16xi32>
    %jit3A_62 = arith.constant 1000 : i32
    %jit3A_63 = arith.constant 0 : i32
    %broadcast_in_dim3A_64 = vector.broadcast %jit3A_62 : i32 to vector<16xi32>
    %broadcast_in_dim3A_65 = vector.broadcast %jit3A_63 : i32 to vector<16xi32>
    %select_n3A_66 = arith.select %ge3A_61, %broadcast_in_dim3A_64, %broadcast_in_dim3A_65 : vector<16xi1>, vector<16xi32>
    %sub3A_67 = arith.subi %get3A_58, %select_n3A_66 : vector<16xi32>
    %swap3A_68 = arith.constant 0 : i32
    %swap3A_69 = arith.index_cast %swap3A_68 : i32 to index
    %swap3A_70 = arith.constant 16 : index
    %swap3A_71 = tpu.vector_load %arg9[%swap3A_69, %swap3A_70] {strides = array<i32>} : memref<4x128xi32, #tpu.memory_space<vmem>>, vector<16xi32>,
    tpu.vector_store %arg9[%swap3A_69, %swap3A_70], %sub3A_67 {strides = array<i32>} : memref<4x128xi32, #tpu.memory_space<vmem>>, vector<16xi32>,
    %jit3A_72 = arith.constant -1.000000e+00 : f32
    %jit3A_73 = arith.constant 1.000000e+00 : f32
    %broadcast_in_dim3A_74 = vector.broadcast %jit3A_72 : f32 to vector<16xf32>
    %broadcast_in_dim3A_75 = vector.broadcast %jit3A_73 : f32 to vector<16xf32>
    %select_n3A_76 = arith.select %ge3A_61, %broadcast_in_dim3A_74, %broadcast_in_dim3A_75 : vector<16xi1>, vector<16xf32>
    %swap3A_77 = arith.constant 16 : index
    %swap3A_78 = tpu.vector_load %arg11[%swap3A_77] {strides = array<i32>} : memref<512xf32, #tpu.memory_space<vmem>>, vector<16xf32>,
    tpu.vector_store %arg11[%swap3A_77], %select_n3A_76 {strides = array<i32>} : memref<512xf32, #tpu.memory_space<vmem>>, vector<16xf32>,
    %get3A_79 = arith.constant 0 : i32
    %get3A_80 = arith.index_cast %get3A_79 : i32 to index
    %get3A_81 = arith.constant 32 : index
    %get3A_82 = tpu.vector_load %arg9[%get3A_80, %get3A_81] {strides = array<i32>} : memref<4x128xi32, #tpu.memory_space<vmem>>, vector<16xi32>,
    %ge3A_83 = arith.constant 1000 : i32
    %ge3A_84 = vector.broadcast %ge3A_83 : i32 to vector<16xi32>
    %ge3A_85 = arith.cmpi sge, %get3A_82, %ge3A_84 : vector<16xi32>
    %jit3A_86 = arith.constant 1000 : i32
    %jit3A_87 = arith.constant 0 : i32
    %broadcast_in_dim3A_88 = vector.broadcast %jit3A_86 : i32 to vector<16xi32>
    %broadcast_in_dim3A_89 = vector.broadcast %jit3A_87 : i32 to vector<16xi32>
    %select_n3A_90 = arith.select %ge3A_85, %broadcast_in_dim3A_88, %broadcast_in_dim3A_89 : vector<16xi1>, vector<16xi32>
    %sub3A_91 = arith.subi %get3A_82, %select_n3A_90 : vector<16xi32>
    %swap3A_92 = arith.constant 0 : i32
    %swap3A_93 = arith.index_cast %swap3A_92 : i32 to index
    %swap3A_94 = arith.constant 32 : index
    %swap3A_95 = tpu.vector_load %arg9[%swap3A_93, %swap3A_94] {strides = array<i32>} : memref<4x128xi32, #tpu.memory_space<vmem>>, vector<16xi32>,
    tpu.vector_store %arg9[%swap3A_93, %swap3A_94], %sub3A_91 {strides = array<i32>} : memref<4x128xi32, #tpu.memory_space<vmem>>, vector<16xi32>,
    %jit3A_96 = arith.constant -1.000000e+00 : f32
    %jit3A_97 = arith.constant 1.000000e+00 : f32
    %broadcast_in_dim3A_98 = vector.broadcast %jit3A_96 : f32 to vector<16xf32>
    %broadcast_in_dim3A_99 = vector.broadcast %jit3A_97 : f32 to vector<16xf32>
    %select_n3A_100 = arith.select %ge3A_85, %broadcast_in_dim3A_98, %broadcast_in_dim3A_99 : vector<16xi1>, vector<16xf32>
    %swap3A_101 = arith.constant 32 : index
    %swap3A_102 = tpu.vector_load %arg11[%swap3A_101] {strides = array<i32>} : memref<512xf32, #tpu.memory_space<vmem>>, vector<16xf32>,
    tpu.vector_store %arg11[%swap3A_101], %select_n3A_100 {strides = array<i32>} : memref<512xf32, #tpu.memory_space<vmem>>, vector<16xf32>,
    %get3A_103 = arith.constant 0 : i32
    %get3A_104 = arith.index_cast %get3A_103 : i32 to index
    %get3A_105 = arith.constant 48 : index
    %get3A_106 = tpu.vector_load %arg9[%get3A_104, %get3A_105] {strides = array<i32>} : memref<4x128xi32, #tpu.memory_space<vmem>>, vector<16xi32>,
    %ge3A_107 = arith.constant 1000 : i32
    %ge3A_108 = vector.broadcast %ge3A_107 : i32 to vector<16xi32>
    %ge3A_109 = arith.cmpi sge, %get3A_106, %ge3A_108 : vector<16xi32>
    %jit3A_110 = arith.constant 1000 : i32
    %jit3A_111 = arith.constant 0 : i32
    %broadcast_in_dim3A_112 = vector.broadcast %jit3A_110 : i32 to vector<16xi32>
    %broadcast_in_dim3A_113 = vector.broadcast %jit3A_111 : i32 to vector<16xi32>
    %select_n3A_114 = arith.select %ge3A_109, %broadcast_in_dim3A_112, %broadcast_in_dim3A_113 : vector<16xi1>, vector<16xi32>
    %sub3A_115 = arith.subi %get3A_106, %select_n3A_114 : vector<16xi32>
    %swap3A_116 = arith.constant 0 : i32
    %swap3A_117 = arith.index_cast %swap3A_116 : i32 to index
    %swap3A_118 = arith.constant 48 : index
    %swap3A_119 = tpu.vector_load %arg9[%swap3A_117, %swap3A_118] {strides = array<i32>} : memref<4x128xi32, #tpu.memory_space<vmem>>, vector<16xi32>,
    tpu.vector_store %arg9[%swap3A_117, %swap3A_118], %sub3A_115 {strides = array<i32>} : memref<4x128xi32, #tpu.memory_space<vmem>>, vector<16xi32>,
    %jit3A_120 = arith.constant -1.000000e+00 : f32
    %jit3A_121 = arith.constant 1.000000e+00 : f32
    %broadcast_in_dim3A_122 = vector.broadcast %jit3A_120 : f32 to vector<16xf32>
    %broadcast_in_dim3A_123 = vector.broadcast %jit3A_121 : f32 to vector<16xf32>
    %select_n3A_124 = arith.select %ge3A_109, %broadcast_in_dim3A_122, %broadcast_in_dim3A_123 : vector<16xi1>, vector<16xf32>
    %swap3A_125 = arith.constant 48 : index
    %swap3A_126 = tpu.vector_load %arg11[%swap3A_125] {strides = array<i32>} : memref<512xf32, #tpu.memory_space<vmem>>, vector<16xf32>,
    tpu.vector_store %arg11[%swap3A_125], %select_n3A_124 {strides = array<i32>} : memref<512xf32, #tpu.memory_space<vmem>>, vector<16xf32>,
    %get3A_127 = arith.constant 0 : i32
    %get3A_128 = arith.index_cast %get3A_127 : i32 to index
    %get3A_129 = arith.constant 64 : index
    %get3A_130 = tpu.vector_load %arg9[%get3A_128, %get3A_129] {strides = array<i32>} : memref<4x128xi32, #tpu.memory_space<vmem>>, vector<16xi32>,
    %ge3A_131 = arith.constant 1000 : i32
    %ge3A_132 = vector.broadcast %ge3A_131 : i32 to vector<16xi32>
    %ge3A_133 = arith.cmpi sge, %get3A_130, %ge3A_132 : vector<16xi32>
    %jit3A_134 = arith.constant 1000 : i32
    %jit3A_135 = arith.constant 0 : i32
    %broadcast_in_dim3A_136 = vector.broadcast %jit3A_134 : i32 to vector<16xi32>
    %broadcast_in_dim3A_137 = vector.broadcast %jit3A_135 : i32 to vector<16xi32>
    %select_n3A_138 = arith.select %ge3A_133, %broadcast_in_dim3A_136, %broadcast_in_dim3A_137 : vector<16xi1>, vector<16xi32>
    %sub3A_139 = arith.subi %get3A_130, %select_n3A_138 : vector<16xi32>
    %swap3A_140 = arith.constant 0 : i32
    %swap3A_141 = arith.index_cast %swap3A_140 : i32 to index
    %swap3A_142 = arith.constant 64 : index
    %swap3A_143 = tpu.vector_load %arg9[%swap3A_141, %swap3A_142] {strides = array<i32>} : memref<4x128xi32, #tpu.memory_space<vmem>>, vector<16xi32>,
    tpu.vector_store %arg9[%swap3A_141, %swap3A_142], %sub3A_139 {strides = array<i32>} : memref<4x128xi32, #tpu.memory_space<vmem>>, vector<16xi32>,
    %jit3A_144 = arith.constant -1.000000e+00 : f32
    %jit3A_145 = arith.constant 1.000000e+00 : f32
    %broadcast_in_dim3A_146 = vector.broadcast %jit3A_144 : f32 to vector<16xf32>
    %broadcast_in_dim3A_147 = vector.broadcast %jit3A_145 : f32 to vector<16xf32>
    %select_n3A_148 = arith.select %ge3A_133, %broadcast_in_dim3A_146, %broadcast_in_dim3A_147 : vector<16xi1>, vector<16xf32>
    %swap3A_149 = arith.constant 64 : index
    %swap3A_150 = tpu.vector_load %arg11[%swap3A_149] {strides = array<i32>} : memref<512xf32, #tpu.memory_space<vmem>>, vector<16xf32>,
    tpu.vector_store %arg11[%swap3A_149], %select_n3A_148 {strides = array<i32>} : memref<512xf32, #tpu.memory_space<vmem>>, vector<16xf32>,
    %get3A_151 = arith.constant 0 : i32
    %get3A_152 = arith.index_cast %get3A_151 : i32 to index
    %get3A_153 = arith.constant 80 : index
    %get3A_154 = tpu.vector_load %arg9[%get3A_152, %get3A_153] {strides = array<i32>} : memref<4x128xi32, #tpu.memory_space<vmem>>, vector<16xi32>,
    %ge3A_155 = arith.constant 1000 : i32
    %ge3A_156 = vector.broadcast %ge3A_155 : i32 to vector<16xi32>
    %ge3A_157 = arith.cmpi sge, %get3A_154, %ge3A_156 : vector<16xi32>
    %jit3A_158 = arith.constant 1000 : i32
    %jit3A_159 = arith.constant 0 : i32
    %broadcast_in_dim3A_160 = vector.broadcast %jit3A_158 : i32 to vector<16xi32>
    %broadcast_in_dim3A_161 = vector.broadcast %jit3A_159 : i32 to vector<16xi32>
    %select_n3A_162 = arith.select %ge3A_157, %broadcast_in_dim3A_160, %broadcast_in_dim3A_161 : vector<16xi1>, vector<16xi32>
    %sub3A_163 = arith.subi %get3A_154, %select_n3A_162 : vector<16xi32>
    %swap3A_164 = arith.constant 0 : i32
    %swap3A_165 = arith.index_cast %swap3A_164 : i32 to index
    %swap3A_166 = arith.constant 80 : index
    %swap3A_167 = tpu.vector_load %arg9[%swap3A_165, %swap3A_166] {strides = array<i32>} : memref<4x128xi32, #tpu.memory_space<vmem>>, vector<16xi32>,
    tpu.vector_store %arg9[%swap3A_165, %swap3A_166], %sub3A_163 {strides = array<i32>} : memref<4x128xi32, #tpu.memory_space<vmem>>, vector<16xi32>,
    %jit3A_168 = arith.constant -1.000000e+00 : f32
    %jit3A_169 = arith.constant 1.000000e+00 : f32
    %broadcast_in_dim3A_170 = vector.broadcast %jit3A_168 : f32 to vector<16xf32>
    %broadcast_in_dim3A_171 = vector.broadcast %jit3A_169 : f32 to vector<16xf32>
    %select_n3A_172 = arith.select %ge3A_157, %broadcast_in_dim3A_170, %broadcast_in_dim3A_171 : vector<16xi1>, vector<16xf32>
    %swap3A_173 = arith.constant 80 : index
    %swap3A_174 = tpu.vector_load %arg11[%swap3A_173] {strides = array<i32>} : memref<512xf32, #tpu.memory_space<vmem>>, vector<16xf32>,
    tpu.vector_store %arg11[%swap3A_173], %select_n3A_172 {strides = array<i32>} : memref<512xf32, #tpu.memory_space<vmem>>, vector<16xf32>,
    %get3A_175 = arith.constant 0 : i32
    %get3A_176 = arith.index_cast %get3A_175 : i32 to index
    %get3A_177 = arith.constant 96 : index
    %get3A_178 = tpu.vector_load %arg9[%get3A_176, %get3A_177] {strides = array<i32>} : memref<4x128xi32, #tpu.memory_space<vmem>>, vector<16xi32>,
    %ge3A_179 = arith.constant 1000 : i32
    %ge3A_180 = vector.broadcast %ge3A_179 : i32 to vector<16xi32>
    %ge3A_181 = arith.cmpi sge, %get3A_178, %ge3A_180 : vector<16xi32>
    %jit3A_182 = arith.constant 1000 : i32
    %jit3A_183 = arith.constant 0 : i32
    %broadcast_in_dim3A_184 = vector.broadcast %jit3A_182 : i32 to vector<16xi32>
    %broadcast_in_dim3A_185 = vector.broadcast %jit3A_183 : i32 to vector<16xi32>
    %select_n3A_186 = arith.select %ge3A_181, %broadcast_in_dim3A_184, %broadcast_in_dim3A_185 : vector<16xi1>, vector<16xi32>
    %sub3A_187 = arith.subi %get3A_178, %select_n3A_186 : vector<16xi32>
    %swap3A_188 = arith.constant 0 : i32
    %swap3A_189 = arith.index_cast %swap3A_188 : i32 to index
    %swap3A_190 = arith.constant 96 : index
    %swap3A_191 = tpu.vector_load %arg9[%swap3A_189, %swap3A_190] {strides = array<i32>} : memref<4x128xi32, #tpu.memory_space<vmem>>, vector<16xi32>,
    tpu.vector_store %arg9[%swap3A_189, %swap3A_190], %sub3A_187 {strides = array<i32>} : memref<4x128xi32, #tpu.memory_space<vmem>>, vector<16xi32>,
    %jit3A_192 = arith.constant -1.000000e+00 : f32
    %jit3A_193 = arith.constant 1.000000e+00 : f32
    %broadcast_in_dim3A_194 = vector.broadcast %jit3A_192 : f32 to vector<16xf32>
    %broadcast_in_dim3A_195 = vector.broadcast %jit3A_193 : f32 to vector<16xf32>
    %select_n3A_196 = arith.select %ge3A_181, %broadcast_in_dim3A_194, %broadcast_in_dim3A_195 : vector<16xi1>, vector<16xf32>
    %swap3A_197 = arith.constant 96 : index
    %swap3A_198 = tpu.vector_load %arg11[%swap3A_197] {strides = array<i32>} : memref<512xf32, #tpu.memory_space<vmem>>, vector<16xf32>,
    tpu.vector_store %arg11[%swap3A_197], %select_n3A_196 {strides = array<i32>} : memref<512xf32, #tpu.memory_space<vmem>>, vector<16xf32>,
    %get3A_199 = arith.constant 0 : i32
    %get3A_200 = arith.index_cast %get3A_199 : i32 to index
    %get3A_201 = arith.constant 112 : index
    %get3A_202 = tpu.vector_load %arg9[%get3A_200, %get3A_201] {strides = array<i32>} : memref<4x128xi32, #tpu.memory_space<vmem>>, vector<16xi32>,
    %ge3A_203 = arith.constant 1000 : i32
    %ge3A_204 = vector.broadcast %ge3A_203 : i32 to vector<16xi32>
    %ge3A_205 = arith.cmpi sge, %get3A_202, %ge3A_204 : vector<16xi32>
    %jit3A_206 = arith.constant 1000 : i32
    %jit3A_207 = arith.constant 0 : i32
    %broadcast_in_dim3A_208 = vector.broadcast %jit3A_206 : i32 to vector<16xi32>
    %broadcast_in_dim3A_209 = vector.broadcast %jit3A_207 : i32 to vector<16xi32>
    %select_n3A_210 = arith.select %ge3A_205, %broadcast_in_dim3A_208, %broadcast_in_dim3A_209 : vector<16xi1>, vector<16xi32>
    %sub3A_211 = arith.subi %get3A_202, %select_n3A_210 : vector<16xi32>
    %swap3A_212 = arith.constant 0 : i32
    %swap3A_213 = arith.index_cast %swap3A_212 : i32 to index
    %swap3A_214 = arith.constant 112 : index
    %swap3A_215 = tpu.vector_load %arg9[%swap3A_213, %swap3A_214] {strides = array<i32>} : memref<4x128xi32, #tpu.memory_space<vmem>>, vector<16xi32>,
    tpu.vector_store %arg9[%swap3A_213, %swap3A_214], %sub3A_211 {strides = array<i32>} : memref<4x128xi32, #tpu.memory_space<vmem>>, vector<16xi32>,
    %jit3A_216 = arith.constant -1.000000e+00 : f32
    %jit3A_217 = arith.constant 1.000000e+00 : f32
    %broadcast_in_dim3A_218 = vector.broadcast %jit3A_216 : f32 to vector<16xf32>
    %broadcast_in_dim3A_219 = vector.broadcast %jit3A_217 : f32 to vector<16xf32>
    %select_n3A_220 = arith.select %ge3A_205, %broadcast_in_dim3A_218, %broadcast_in_dim3A_219 : vector<16xi1>, vector<16xf32>
    %swap3A_221 = arith.constant 112 : index
    %swap3A_222 = tpu.vector_load %arg11[%swap3A_221] {strides = array<i32>} : memref<512xf32, #tpu.memory_space<vmem>>, vector<16xf32>,
    tpu.vector_store %arg11[%swap3A_221], %select_n3A_220 {strides = array<i32>} : memref<512xf32, #tpu.memory_space<vmem>>, vector<16xf32>,
    %get3A_223 = arith.constant 1 : i32
    %get3A_224 = arith.index_cast %get3A_223 : i32 to index
    %get3A_225 = arith.constant 0 : index
    %get3A_226 = tpu.vector_load %arg9[%get3A_224, %get3A_225] {strides = array<i32>} : memref<4x128xi32, #tpu.memory_space<vmem>>, vector<16xi32>,
    %ge3A_227 = arith.constant 1000 : i32
    %ge3A_228 = vector.broadcast %ge3A_227 : i32 to vector<16xi32>
    %ge3A_229 = arith.cmpi sge, %get3A_226, %ge3A_228 : vector<16xi32>
    %jit3A_230 = arith.constant 1000 : i32
    %jit3A_231 = arith.constant 0 : i32
    %broadcast_in_dim3A_232 = vector.broadcast %jit3A_230 : i32 to vector<16xi32>
    %broadcast_in_dim3A_233 = vector.broadcast %jit3A_231 : i32 to vector<16xi32>
    %select_n3A_234 = arith.select %ge3A_229, %broadcast_in_dim3A_232, %broadcast_in_dim3A_233 : vector<16xi1>, vector<16xi32>
    %sub3A_235 = arith.subi %get3A_226, %select_n3A_234 : vector<16xi32>
    %swap3A_236 = arith.constant 1 : i32
    %swap3A_237 = arith.index_cast %swap3A_236 : i32 to index
    %swap3A_238 = arith.constant 0 : index
    %swap3A_239 = tpu.vector_load %arg9[%swap3A_237, %swap3A_238] {strides = array<i32>} : memref<4x128xi32, #tpu.memory_space<vmem>>, vector<16xi32>,
    tpu.vector_store %arg9[%swap3A_237, %swap3A_238], %sub3A_235 {strides = array<i32>} : memref<4x128xi32, #tpu.memory_space<vmem>>, vector<16xi32>,
    %jit3A_240 = arith.constant -1.000000e+00 : f32
    %jit3A_241 = arith.constant 1.000000e+00 : f32
    %broadcast_in_dim3A_242 = vector.broadcast %jit3A_240 : f32 to vector<16xf32>
    %broadcast_in_dim3A_243 = vector.broadcast %jit3A_241 : f32 to vector<16xf32>
    %select_n3A_244 = arith.select %ge3A_229, %broadcast_in_dim3A_242, %broadcast_in_dim3A_243 : vector<16xi1>, vector<16xf32>
    %swap3A_245 = arith.constant 128 : index
    %swap3A_246 = tpu.vector_load %arg11[%swap3A_245] {strides = array<i32>} : memref<512xf32, #tpu.memory_space<vmem>>, vector<16xf32>,
    tpu.vector_store %arg11[%swap3A_245], %select_n3A_244 {strides = array<i32>} : memref<512xf32, #tpu.memory_space<vmem>>, vector<16xf32>,
    %get3A_247 = arith.constant 1 : i32
    %get3A_248 = arith.index_cast %get3A_247 : i32 to index
    %get3A_249 = arith.constant 16 : index
    %get3A_250 = tpu.vector_load %arg9[%get3A_248, %get3A_249] {strides = array<i32>} : memref<4x128xi32, #tpu.memory_space<vmem>>, vector<16xi32>,
    %ge3A_251 = arith.constant 1000 : i32
    %ge3A_252 = vector.broadcast %ge3A_251 : i32 to vector<16xi32>
    %ge3A_253 = arith.cmpi sge, %get3A_250, %ge3A_252 : vector<16xi32>
    %jit3A_254 = arith.constant 1000 : i32
    %jit3A_255 = arith.constant 0 : i32
    %broadcast_in_dim3A_256 = vector.broadcast %jit3A_254 : i32 to vector<16xi32>
    %broadcast_in_dim3A_257 = vector.broadcast %jit3A_255 : i32 to vector<16xi32>
    %select_n3A_258 = arith.select %ge3A_253, %broadcast_in_dim3A_256, %broadcast_in_dim3A_257 : vector<16xi1>, vector<16xi32>
    %sub3A_259 = arith.subi %get3A_250, %select_n3A_258 : vector<16xi32>
    %swap3A_260 = arith.constant 1 : i32
    %swap3A_261 = arith.index_cast %swap3A_260 : i32 to index
    %swap3A_262 = arith.constant 16 : index
    %swap3A_263 = tpu.vector_load %arg9[%swap3A_261, %swap3A_262] {strides = array<i32>} : memref<4x128xi32, #tpu.memory_space<vmem>>, vector<16xi32>,
    tpu.vector_store %arg9[%swap3A_261, %swap3A_262], %sub3A_259 {strides = array<i32>} : memref<4x128xi32, #tpu.memory_space<vmem>>, vector<16xi32>,
    %jit3A_264 = arith.constant -1.000000e+00 : f32
    %jit3A_265 = arith.constant 1.000000e+00 : f32
    %broadcast_in_dim3A_266 = vector.broadcast %jit3A_264 : f32 to vector<16xf32>
    %broadcast_in_dim3A_267 = vector.broadcast %jit3A_265 : f32 to vector<16xf32>
    %select_n3A_268 = arith.select %ge3A_253, %broadcast_in_dim3A_266, %broadcast_in_dim3A_267 : vector<16xi1>, vector<16xf32>
    %swap3A_269 = arith.constant 144 : index
    %swap3A_270 = tpu.vector_load %arg11[%swap3A_269] {strides = array<i32>} : memref<512xf32, #tpu.memory_space<vmem>>, vector<16xf32>,
    tpu.vector_store %arg11[%swap3A_269], %select_n3A_268 {strides = array<i32>} : memref<512xf32, #tpu.memory_space<vmem>>, vector<16xf32>,
    %get3A_271 = arith.constant 1 : i32
    %get3A_272 = arith.index_cast %get3A_271 : i32 to index
    %get3A_273 = arith.constant 32 : index
    %get3A_274 = tpu.vector_load %arg9[%get3A_272, %get3A_273] {strides = array<i32>} : memref<4x128xi32, #tpu.memory_space<vmem>>, vector<16xi32>,
    %ge3A_275 = arith.constant 1000 : i32
    %ge3A_276 = vector.broadcast %ge3A_275 : i32 to vector<16xi32>
    %ge3A_277 = arith.cmpi sge, %get3A_274, %ge3A_276 : vector<16xi32>
    %jit3A_278 = arith.constant 1000 : i32
    %jit3A_279 = arith.constant 0 : i32
    %broadcast_in_dim3A_280 = vector.broadcast %jit3A_278 : i32 to vector<16xi32>
    %broadcast_in_dim3A_281 = vector.broadcast %jit3A_279 : i32 to vector<16xi32>
    %select_n3A_282 = arith.select %ge3A_277, %broadcast_in_dim3A_280, %broadcast_in_dim3A_281 : vector<16xi1>, vector<16xi32>
    %sub3A_283 = arith.subi %get3A_274, %select_n3A_282 : vector<16xi32>
    %swap3A_284 = arith.constant 1 : i32
    %swap3A_285 = arith.index_cast %swap3A_284 : i32 to index
    %swap3A_286 = arith.constant 32 : index
    %swap3A_287 = tpu.vector_load %arg9[%swap3A_285, %swap3A_286] {strides = array<i32>} : memref<4x128xi32, #tpu.memory_space<vmem>>, vector<16xi32>,
    tpu.vector_store %arg9[%swap3A_285, %swap3A_286], %sub3A_283 {strides = array<i32>} : memref<4x128xi32, #tpu.memory_space<vmem>>, vector<16xi32>,
    %jit3A_288 = arith.constant -1.000000e+00 : f32
    %jit3A_289 = arith.constant 1.000000e+00 : f32
    %broadcast_in_dim3A_290 = vector.broadcast %jit3A_288 : f32 to vector<16xf32>
    %broadcast_in_dim3A_291 = vector.broadcast %jit3A_289 : f32 to vector<16xf32>
    %select_n3A_292 = arith.select %ge3A_277, %broadcast_in_dim3A_290, %broadcast_in_dim3A_291 : vector<16xi1>, vector<16xf32>
    %swap3A_293 = arith.constant 160 : index
    %swap3A_294 = tpu.vector_load %arg11[%swap3A_293] {strides = array<i32>} : memref<512xf32, #tpu.memory_space<vmem>>, vector<16xf32>,
    tpu.vector_store %arg11[%swap3A_293], %select_n3A_292 {strides = array<i32>} : memref<512xf32, #tpu.memory_space<vmem>>, vector<16xf32>,
    %get3A_295 = arith.constant 1 : i32
    %get3A_296 = arith.index_cast %get3A_295 : i32 to index
    %get3A_297 = arith.constant 48 : index
    %get3A_298 = tpu.vector_load %arg9[%get3A_296, %get3A_297] {strides = array<i32>} : memref<4x128xi32, #tpu.memory_space<vmem>>, vector<16xi32>,
    %ge3A_299 = arith.constant 1000 : i32
    %ge3A_300 = vector.broadcast %ge3A_299 : i32 to vector<16xi32>
    %ge3A_301 = arith.cmpi sge, %get3A_298, %ge3A_300 : vector<16xi32>
    %jit3A_302 = arith.constant 1000 : i32
    %jit3A_303 = arith.constant 0 : i32
    %broadcast_in_dim3A_304 = vector.broadcast %jit3A_302 : i32 to vector<16xi32>
    %broadcast_in_dim3A_305 = vector.broadcast %jit3A_303 : i32 to vector<16xi32>
    %select_n3A_306 = arith.select %ge3A_301, %broadcast_in_dim3A_304, %broadcast_in_dim3A_305 : vector<16xi1>, vector<16xi32>
    %sub3A_307 = arith.subi %get3A_298, %select_n3A_306 : vector<16xi32>
    %swap3A_308 = arith.constant 1 : i32
    %swap3A_309 = arith.index_cast %swap3A_308 : i32 to index
    %swap3A_310 = arith.constant 48 : index
    %swap3A_311 = tpu.vector_load %arg9[%swap3A_309, %swap3A_310] {strides = array<i32>} : memref<4x128xi32, #tpu.memory_space<vmem>>, vector<16xi32>,
    tpu.vector_store %arg9[%swap3A_309, %swap3A_310], %sub3A_307 {strides = array<i32>} : memref<4x128xi32, #tpu.memory_space<vmem>>, vector<16xi32>,
    %jit3A_312 = arith.constant -1.000000e+00 : f32
    %jit3A_313 = arith.constant 1.000000e+00 : f32
    %broadcast_in_dim3A_314 = vector.broadcast %jit3A_312 : f32 to vector<16xf32>
    %broadcast_in_dim3A_315 = vector.broadcast %jit3A_313 : f32 to vector<16xf32>
    %select_n3A_316 = arith.select %ge3A_301, %broadcast_in_dim3A_314, %broadcast_in_dim3A_315 : vector<16xi1>, vector<16xf32>
    %swap3A_317 = arith.constant 176 : index
    %swap3A_318 = tpu.vector_load %arg11[%swap3A_317] {strides = array<i32>} : memref<512xf32, #tpu.memory_space<vmem>>, vector<16xf32>,
    tpu.vector_store %arg11[%swap3A_317], %select_n3A_316 {strides = array<i32>} : memref<512xf32, #tpu.memory_space<vmem>>, vector<16xf32>,
    %get3A_319 = arith.constant 1 : i32
    %get3A_320 = arith.index_cast %get3A_319 : i32 to index
    %get3A_321 = arith.constant 64 : index
    %get3A_322 = tpu.vector_load %arg9[%get3A_320, %get3A_321] {strides = array<i32>} : memref<4x128xi32, #tpu.memory_space<vmem>>, vector<16xi32>,
    %ge3A_323 = arith.constant 1000 : i32
    %ge3A_324 = vector.broadcast %ge3A_323 : i32 to vector<16xi32>
    %ge3A_325 = arith.cmpi sge, %get3A_322, %ge3A_324 : vector<16xi32>
    %jit3A_326 = arith.constant 1000 : i32
    %jit3A_327 = arith.constant 0 : i32
    %broadcast_in_dim3A_328 = vector.broadcast %jit3A_326 : i32 to vector<16xi32>
    %broadcast_in_dim3A_329 = vector.broadcast %jit3A_327 : i32 to vector<16xi32>
    %select_n3A_330 = arith.select %ge3A_325, %broadcast_in_dim3A_328, %broadcast_in_dim3A_329 : vector<16xi1>, vector<16xi32>
    %sub3A_331 = arith.subi %get3A_322, %select_n3A_330 : vector<16xi32>
    %swap3A_332 = arith.constant 1 : i32
    %swap3A_333 = arith.index_cast %swap3A_332 : i32 to index
    %swap3A_334 = arith.constant 64 : index
    %swap3A_335 = tpu.vector_load %arg9[%swap3A_333, %swap3A_334] {strides = array<i32>} : memref<4x128xi32, #tpu.memory_space<vmem>>, vector<16xi32>,
    tpu.vector_store %arg9[%swap3A_333, %swap3A_334], %sub3A_331 {strides = array<i32>} : memref<4x128xi32, #tpu.memory_space<vmem>>, vector<16xi32>,
    %jit3A_336 = arith.constant -1.000000e+00 : f32
    %jit3A_337 = arith.constant 1.000000e+00 : f32
    %broadcast_in_dim3A_338 = vector.broadcast %jit3A_336 : f32 to vector<16xf32>
    %broadcast_in_dim3A_339 = vector.broadcast %jit3A_337 : f32 to vector<16xf32>
    %select_n3A_340 = arith.select %ge3A_325, %broadcast_in_dim3A_338, %broadcast_in_dim3A_339 : vector<16xi1>, vector<16xf32>
    %swap3A_341 = arith.constant 192 : index
    %swap3A_342 = tpu.vector_load %arg11[%swap3A_341] {strides = array<i32>} : memref<512xf32, #tpu.memory_space<vmem>>, vector<16xf32>,
    tpu.vector_store %arg11[%swap3A_341], %select_n3A_340 {strides = array<i32>} : memref<512xf32, #tpu.memory_space<vmem>>, vector<16xf32>,
    %get3A_343 = arith.constant 1 : i32
    %get3A_344 = arith.index_cast %get3A_343 : i32 to index
    %get3A_345 = arith.constant 80 : index
    %get3A_346 = tpu.vector_load %arg9[%get3A_344, %get3A_345] {strides = array<i32>} : memref<4x128xi32, #tpu.memory_space<vmem>>, vector<16xi32>,
    %ge3A_347 = arith.constant 1000 : i32
    %ge3A_348 = vector.broadcast %ge3A_347 : i32 to vector<16xi32>
    %ge3A_349 = arith.cmpi sge, %get3A_346, %ge3A_348 : vector<16xi32>
    %jit3A_350 = arith.constant 1000 : i32
    %jit3A_351 = arith.constant 0 : i32
    %broadcast_in_dim3A_352 = vector.broadcast %jit3A_350 : i32 to vector<16xi32>
    %broadcast_in_dim3A_353 = vector.broadcast %jit3A_351 : i32 to vector<16xi32>
    %select_n3A_354 = arith.select %ge3A_349, %broadcast_in_dim3A_352, %broadcast_in_dim3A_353 : vector<16xi1>, vector<16xi32>
    %sub3A_355 = arith.subi %get3A_346, %select_n3A_354 : vector<16xi32>
    %swap3A_356 = arith.constant 1 : i32
    %swap3A_357 = arith.index_cast %swap3A_356 : i32 to index
    %swap3A_358 = arith.constant 80 : index
    %swap3A_359 = tpu.vector_load %arg9[%swap3A_357, %swap3A_358] {strides = array<i32>} : memref<4x128xi32, #tpu.memory_space<vmem>>, vector<16xi32>,
    tpu.vector_store %arg9[%swap3A_357, %swap3A_358], %sub3A_355 {strides = array<i32>} : memref<4x128xi32, #tpu.memory_space<vmem>>, vector<16xi32>,
    %jit3A_360 = arith.constant -1.000000e+00 : f32
    %jit3A_361 = arith.constant 1.000000e+00 : f32
    %broadcast_in_dim3A_362 = vector.broadcast %jit3A_360 : f32 to vector<16xf32>
    %broadcast_in_dim3A_363 = vector.broadcast %jit3A_361 : f32 to vector<16xf32>
    %select_n3A_364 = arith.select %ge3A_349, %broadcast_in_dim3A_362, %broadcast_in_dim3A_363 : vector<16xi1>, vector<16xf32>
    %swap3A_365 = arith.constant 208 : index
    %swap3A_366 = tpu.vector_load %arg11[%swap3A_365] {strides = array<i32>} : memref<512xf32, #tpu.memory_space<vmem>>, vector<16xf32>,
    tpu.vector_store %arg11[%swap3A_365], %select_n3A_364 {strides = array<i32>} : memref<512xf32, #tpu.memory_space<vmem>>, vector<16xf32>,
    %get3A_367 = arith.constant 1 : i32
    %get3A_368 = arith.index_cast %get3A_367 : i32 to index
    %get3A_369 = arith.constant 96 : index
    %get3A_370 = tpu.vector_load %arg9[%get3A_368, %get3A_369] {strides = array<i32>} : memref<4x128xi32, #tpu.memory_space<vmem>>, vector<16xi32>,
    %ge3A_371 = arith.constant 1000 : i32
    %ge3A_372 = vector.broadcast %ge3A_371 : i32 to vector<16xi32>
    %ge3A_373 = arith.cmpi sge, %get3A_370, %ge3A_372 : vector<16xi32>
    %jit3A_374 = arith.constant 1000 : i32
    %jit3A_375 = arith.constant 0 : i32
    %broadcast_in_dim3A_376 = vector.broadcast %jit3A_374 : i32 to vector<16xi32>
    %broadcast_in_dim3A_377 = vector.broadcast %jit3A_375 : i32 to vector<16xi32>
    %select_n3A_378 = arith.select %ge3A_373, %broadcast_in_dim3A_376, %broadcast_in_dim3A_377 : vector<16xi1>, vector<16xi32>
    %sub3A_379 = arith.subi %get3A_370, %select_n3A_378 : vector<16xi32>
    %swap3A_380 = arith.constant 1 : i32
    %swap3A_381 = arith.index_cast %swap3A_380 : i32 to index
    %swap3A_382 = arith.constant 96 : index
    %swap3A_383 = tpu.vector_load %arg9[%swap3A_381, %swap3A_382] {strides = array<i32>} : memref<4x128xi32, #tpu.memory_space<vmem>>, vector<16xi32>,
    tpu.vector_store %arg9[%swap3A_381, %swap3A_382], %sub3A_379 {strides = array<i32>} : memref<4x128xi32, #tpu.memory_space<vmem>>, vector<16xi32>,
    %jit3A_384 = arith.constant -1.000000e+00 : f32
    %jit3A_385 = arith.constant 1.000000e+00 : f32
    %broadcast_in_dim3A_386 = vector.broadcast %jit3A_384 : f32 to vector<16xf32>
    %broadcast_in_dim3A_387 = vector.broadcast %jit3A_385 : f32 to vector<16xf32>
    %select_n3A_388 = arith.select %ge3A_373, %broadcast_in_dim3A_386, %broadcast_in_dim3A_387 : vector<16xi1>, vector<16xf32>
    %swap3A_389 = arith.constant 224 : index
    %swap3A_390 = tpu.vector_load %arg11[%swap3A_389] {strides = array<i32>} : memref<512xf32, #tpu.memory_space<vmem>>, vector<16xf32>,
    tpu.vector_store %arg11[%swap3A_389], %select_n3A_388 {strides = array<i32>} : memref<512xf32, #tpu.memory_space<vmem>>, vector<16xf32>,
    %get3A_391 = arith.constant 1 : i32
    %get3A_392 = arith.index_cast %get3A_391 : i32 to index
    %get3A_393 = arith.constant 112 : index
    %get3A_394 = tpu.vector_load %arg9[%get3A_392, %get3A_393] {strides = array<i32>} : memref<4x128xi32, #tpu.memory_space<vmem>>, vector<16xi32>,
    %ge3A_395 = arith.constant 1000 : i32
    %ge3A_396 = vector.broadcast %ge3A_395 : i32 to vector<16xi32>
    %ge3A_397 = arith.cmpi sge, %get3A_394, %ge3A_396 : vector<16xi32>
    %jit3A_398 = arith.constant 1000 : i32
    %jit3A_399 = arith.constant 0 : i32
    %broadcast_in_dim3A_400 = vector.broadcast %jit3A_398 : i32 to vector<16xi32>
    %broadcast_in_dim3A_401 = vector.broadcast %jit3A_399 : i32 to vector<16xi32>
    %select_n3A_402 = arith.select %ge3A_397, %broadcast_in_dim3A_400, %broadcast_in_dim3A_401 : vector<16xi1>, vector<16xi32>
    %sub3A_403 = arith.subi %get3A_394, %select_n3A_402 : vector<16xi32>
    %swap3A_404 = arith.constant 1 : i32
    %swap3A_405 = arith.index_cast %swap3A_404 : i32 to index
    %swap3A_406 = arith.constant 112 : index
    %swap3A_407 = tpu.vector_load %arg9[%swap3A_405, %swap3A_406] {strides = array<i32>} : memref<4x128xi32, #tpu.memory_space<vmem>>, vector<16xi32>,
    tpu.vector_store %arg9[%swap3A_405, %swap3A_406], %sub3A_403 {strides = array<i32>} : memref<4x128xi32, #tpu.memory_space<vmem>>, vector<16xi32>,
    %jit3A_408 = arith.constant -1.000000e+00 : f32
    %jit3A_409 = arith.constant 1.000000e+00 : f32
    %broadcast_in_dim3A_410 = vector.broadcast %jit3A_408 : f32 to vector<16xf32>
    %broadcast_in_dim3A_411 = vector.broadcast %jit3A_409 : f32 to vector<16xf32>
    %select_n3A_412 = arith.select %ge3A_397, %broadcast_in_dim3A_410, %broadcast_in_dim3A_411 : vector<16xi1>, vector<16xf32>
    %swap3A_413 = arith.constant 240 : index
    %swap3A_414 = tpu.vector_load %arg11[%swap3A_413] {strides = array<i32>} : memref<512xf32, #tpu.memory_space<vmem>>, vector<16xf32>,
    tpu.vector_store %arg11[%swap3A_413], %select_n3A_412 {strides = array<i32>} : memref<512xf32, #tpu.memory_space<vmem>>, vector<16xf32>,
    %get3A_415 = arith.constant 2 : i32
    %get3A_416 = arith.index_cast %get3A_415 : i32 to index
    %get3A_417 = arith.constant 0 : index
    %get3A_418 = tpu.vector_load %arg9[%get3A_416, %get3A_417] {strides = array<i32>} : memref<4x128xi32, #tpu.memory_space<vmem>>, vector<16xi32>,
    %ge3A_419 = arith.constant 1000 : i32
    %ge3A_420 = vector.broadcast %ge3A_419 : i32 to vector<16xi32>
    %ge3A_421 = arith.cmpi sge, %get3A_418, %ge3A_420 : vector<16xi32>
    %jit3A_422 = arith.constant 1000 : i32
    %jit3A_423 = arith.constant 0 : i32
    %broadcast_in_dim3A_424 = vector.broadcast %jit3A_422 : i32 to vector<16xi32>
    %broadcast_in_dim3A_425 = vector.broadcast %jit3A_423 : i32 to vector<16xi32>
    %select_n3A_426 = arith.select %ge3A_421, %broadcast_in_dim3A_424, %broadcast_in_dim3A_425 : vector<16xi1>, vector<16xi32>
    %sub3A_427 = arith.subi %get3A_418, %select_n3A_426 : vector<16xi32>
    %swap3A_428 = arith.constant 2 : i32
    %swap3A_429 = arith.index_cast %swap3A_428 : i32 to index
    %swap3A_430 = arith.constant 0 : index
    %swap3A_431 = tpu.vector_load %arg9[%swap3A_429, %swap3A_430] {strides = array<i32>} : memref<4x128xi32, #tpu.memory_space<vmem>>, vector<16xi32>,
    tpu.vector_store %arg9[%swap3A_429, %swap3A_430], %sub3A_427 {strides = array<i32>} : memref<4x128xi32, #tpu.memory_space<vmem>>, vector<16xi32>,
    %jit3A_432 = arith.constant -1.000000e+00 : f32
    %jit3A_433 = arith.constant 1.000000e+00 : f32
    %broadcast_in_dim3A_434 = vector.broadcast %jit3A_432 : f32 to vector<16xf32>
    %broadcast_in_dim3A_435 = vector.broadcast %jit3A_433 : f32 to vector<16xf32>
    %select_n3A_436 = arith.select %ge3A_421, %broadcast_in_dim3A_434, %broadcast_in_dim3A_435 : vector<16xi1>, vector<16xf32>
    %swap3A_437 = arith.constant 256 : index
    %swap3A_438 = tpu.vector_load %arg11[%swap3A_437] {strides = array<i32>} : memref<512xf32, #tpu.memory_space<vmem>>, vector<16xf32>,
    tpu.vector_store %arg11[%swap3A_437], %select_n3A_436 {strides = array<i32>} : memref<512xf32, #tpu.memory_space<vmem>>, vector<16xf32>,
    %get3A_439 = arith.constant 2 : i32
    %get3A_440 = arith.index_cast %get3A_439 : i32 to index
    %get3A_441 = arith.constant 16 : index
    %get3A_442 = tpu.vector_load %arg9[%get3A_440, %get3A_441] {strides = array<i32>} : memref<4x128xi32, #tpu.memory_space<vmem>>, vector<16xi32>,
    %ge3A_443 = arith.constant 1000 : i32
    %ge3A_444 = vector.broadcast %ge3A_443 : i32 to vector<16xi32>
    %ge3A_445 = arith.cmpi sge, %get3A_442, %ge3A_444 : vector<16xi32>
    %jit3A_446 = arith.constant 1000 : i32
    %jit3A_447 = arith.constant 0 : i32
    %broadcast_in_dim3A_448 = vector.broadcast %jit3A_446 : i32 to vector<16xi32>
    %broadcast_in_dim3A_449 = vector.broadcast %jit3A_447 : i32 to vector<16xi32>
    %select_n3A_450 = arith.select %ge3A_445, %broadcast_in_dim3A_448, %broadcast_in_dim3A_449 : vector<16xi1>, vector<16xi32>
    %sub3A_451 = arith.subi %get3A_442, %select_n3A_450 : vector<16xi32>
    %swap3A_452 = arith.constant 2 : i32
    %swap3A_453 = arith.index_cast %swap3A_452 : i32 to index
    %swap3A_454 = arith.constant 16 : index
    %swap3A_455 = tpu.vector_load %arg9[%swap3A_453, %swap3A_454] {strides = array<i32>} : memref<4x128xi32, #tpu.memory_space<vmem>>, vector<16xi32>,
    tpu.vector_store %arg9[%swap3A_453, %swap3A_454], %sub3A_451 {strides = array<i32>} : memref<4x128xi32, #tpu.memory_space<vmem>>, vector<16xi32>,
    %jit3A_456 = arith.constant -1.000000e+00 : f32
    %jit3A_457 = arith.constant 1.000000e+00 : f32
    %broadcast_in_dim3A_458 = vector.broadcast %jit3A_456 : f32 to vector<16xf32>
    %broadcast_in_dim3A_459 = vector.broadcast %jit3A_457 : f32 to vector<16xf32>
    %select_n3A_460 = arith.select %ge3A_445, %broadcast_in_dim3A_458, %broadcast_in_dim3A_459 : vector<16xi1>, vector<16xf32>
    %swap3A_461 = arith.constant 272 : index
    %swap3A_462 = tpu.vector_load %arg11[%swap3A_461] {strides = array<i32>} : memref<512xf32, #tpu.memory_space<vmem>>, vector<16xf32>,
    tpu.vector_store %arg11[%swap3A_461], %select_n3A_460 {strides = array<i32>} : memref<512xf32, #tpu.memory_space<vmem>>, vector<16xf32>,
    %get3A_463 = arith.constant 2 : i32
    %get3A_464 = arith.index_cast %get3A_463 : i32 to index
    %get3A_465 = arith.constant 32 : index
    %get3A_466 = tpu.vector_load %arg9[%get3A_464, %get3A_465] {strides = array<i32>} : memref<4x128xi32, #tpu.memory_space<vmem>>, vector<16xi32>,
    %ge3A_467 = arith.constant 1000 : i32
    %ge3A_468 = vector.broadcast %ge3A_467 : i32 to vector<16xi32>
    %ge3A_469 = arith.cmpi sge, %get3A_466, %ge3A_468 : vector<16xi32>
    %jit3A_470 = arith.constant 1000 : i32
    %jit3A_471 = arith.constant 0 : i32
    %broadcast_in_dim3A_472 = vector.broadcast %jit3A_470 : i32 to vector<16xi32>
    %broadcast_in_dim3A_473 = vector.broadcast %jit3A_471 : i32 to vector<16xi32>
    %select_n3A_474 = arith.select %ge3A_469, %broadcast_in_dim3A_472, %broadcast_in_dim3A_473 : vector<16xi1>, vector<16xi32>
    %sub3A_475 = arith.subi %get3A_466, %select_n3A_474 : vector<16xi32>
    %swap3A_476 = arith.constant 2 : i32
    %swap3A_477 = arith.index_cast %swap3A_476 : i32 to index
    %swap3A_478 = arith.constant 32 : index
    %swap3A_479 = tpu.vector_load %arg9[%swap3A_477, %swap3A_478] {strides = array<i32>} : memref<4x128xi32, #tpu.memory_space<vmem>>, vector<16xi32>,
    tpu.vector_store %arg9[%swap3A_477, %swap3A_478], %sub3A_475 {strides = array<i32>} : memref<4x128xi32, #tpu.memory_space<vmem>>, vector<16xi32>,
    %jit3A_480 = arith.constant -1.000000e+00 : f32
    %jit3A_481 = arith.constant 1.000000e+00 : f32
    %broadcast_in_dim3A_482 = vector.broadcast %jit3A_480 : f32 to vector<16xf32>
    %broadcast_in_dim3A_483 = vector.broadcast %jit3A_481 : f32 to vector<16xf32>
    %select_n3A_484 = arith.select %ge3A_469, %broadcast_in_dim3A_482, %broadcast_in_dim3A_483 : vector<16xi1>, vector<16xf32>
    %swap3A_485 = arith.constant 288 : index
    %swap3A_486 = tpu.vector_load %arg11[%swap3A_485] {strides = array<i32>} : memref<512xf32, #tpu.memory_space<vmem>>, vector<16xf32>,
    tpu.vector_store %arg11[%swap3A_485], %select_n3A_484 {strides = array<i32>} : memref<512xf32, #tpu.memory_space<vmem>>, vector<16xf32>,
    %get3A_487 = arith.constant 2 : i32
    %get3A_488 = arith.index_cast %get3A_487 : i32 to index
    %get3A_489 = arith.constant 48 : index
    %get3A_490 = tpu.vector_load %arg9[%get3A_488, %get3A_489] {strides = array<i32>} : memref<4x128xi32, #tpu.memory_space<vmem>>, vector<16xi32>,
    %ge3A_491 = arith.constant 1000 : i32
    %ge3A_492 = vector.broadcast %ge3A_491 : i32 to vector<16xi32>
    %ge3A_493 = arith.cmpi sge, %get3A_490, %ge3A_492 : vector<16xi32>
    %jit3A_494 = arith.constant 1000 : i32
    %jit3A_495 = arith.constant 0 : i32
    %broadcast_in_dim3A_496 = vector.broadcast %jit3A_494 : i32 to vector<16xi32>
    %broadcast_in_dim3A_497 = vector.broadcast %jit3A_495 : i32 to vector<16xi32>
    %select_n3A_498 = arith.select %ge3A_493, %broadcast_in_dim3A_496, %broadcast_in_dim3A_497 : vector<16xi1>, vector<16xi32>
    %sub3A_499 = arith.subi %get3A_490, %select_n3A_498 : vector<16xi32>
    %swap3A_500 = arith.constant 2 : i32
    %swap3A_501 = arith.index_cast %swap3A_500 : i32 to index
    %swap3A_502 = arith.constant 48 : index
    %swap3A_503 = tpu.vector_load %arg9[%swap3A_501, %swap3A_502] {strides = array<i32>} : memref<4x128xi32, #tpu.memory_space<vmem>>, vector<16xi32>,
    tpu.vector_store %arg9[%swap3A_501, %swap3A_502], %sub3A_499 {strides = array<i32>} : memref<4x128xi32, #tpu.memory_space<vmem>>, vector<16xi32>,
    %jit3A_504 = arith.constant -1.000000e+00 : f32
    %jit3A_505 = arith.constant 1.000000e+00 : f32
    %broadcast_in_dim3A_506 = vector.broadcast %jit3A_504 : f32 to vector<16xf32>
    %broadcast_in_dim3A_507 = vector.broadcast %jit3A_505 : f32 to vector<16xf32>
    %select_n3A_508 = arith.select %ge3A_493, %broadcast_in_dim3A_506, %broadcast_in_dim3A_507 : vector<16xi1>, vector<16xf32>
    %swap3A_509 = arith.constant 304 : index
    %swap3A_510 = tpu.vector_load %arg11[%swap3A_509] {strides = array<i32>} : memref<512xf32, #tpu.memory_space<vmem>>, vector<16xf32>,
    tpu.vector_store %arg11[%swap3A_509], %select_n3A_508 {strides = array<i32>} : memref<512xf32, #tpu.memory_space<vmem>>, vector<16xf32>,
    %get3A_511 = arith.constant 2 : i32
    %get3A_512 = arith.index_cast %get3A_511 : i32 to index
    %get3A_513 = arith.constant 64 : index
    %get3A_514 = tpu.vector_load %arg9[%get3A_512, %get3A_513] {strides = array<i32>} : memref<4x128xi32, #tpu.memory_space<vmem>>, vector<16xi32>,
    %ge3A_515 = arith.constant 1000 : i32
    %ge3A_516 = vector.broadcast %ge3A_515 : i32 to vector<16xi32>
    %ge3A_517 = arith.cmpi sge, %get3A_514, %ge3A_516 : vector<16xi32>
    %jit3A_518 = arith.constant 1000 : i32
    %jit3A_519 = arith.constant 0 : i32
    %broadcast_in_dim3A_520 = vector.broadcast %jit3A_518 : i32 to vector<16xi32>
    %broadcast_in_dim3A_521 = vector.broadcast %jit3A_519 : i32 to vector<16xi32>
    %select_n3A_522 = arith.select %ge3A_517, %broadcast_in_dim3A_520, %broadcast_in_dim3A_521 : vector<16xi1>, vector<16xi32>
    %sub3A_523 = arith.subi %get3A_514, %select_n3A_522 : vector<16xi32>
    %swap3A_524 = arith.constant 2 : i32
    %swap3A_525 = arith.index_cast %swap3A_524 : i32 to index
    %swap3A_526 = arith.constant 64 : index
    %swap3A_527 = tpu.vector_load %arg9[%swap3A_525, %swap3A_526] {strides = array<i32>} : memref<4x128xi32, #tpu.memory_space<vmem>>, vector<16xi32>,
    tpu.vector_store %arg9[%swap3A_525, %swap3A_526], %sub3A_523 {strides = array<i32>} : memref<4x128xi32, #tpu.memory_space<vmem>>, vector<16xi32>,
    %jit3A_528 = arith.constant -1.000000e+00 : f32
    %jit3A_529 = arith.constant 1.000000e+00 : f32
    %broadcast_in_dim3A_530 = vector.broadcast %jit3A_528 : f32 to vector<16xf32>
    %broadcast_in_dim3A_531 = vector.broadcast %jit3A_529 : f32 to vector<16xf32>
    %select_n3A_532 = arith.select %ge3A_517, %broadcast_in_dim3A_530, %broadcast_in_dim3A_531 : vector<16xi1>, vector<16xf32>
    %swap3A_533 = arith.constant 320 : index
    %swap3A_534 = tpu.vector_load %arg11[%swap3A_533] {strides = array<i32>} : memref<512xf32, #tpu.memory_space<vmem>>, vector<16xf32>,
    tpu.vector_store %arg11[%swap3A_533], %select_n3A_532 {strides = array<i32>} : memref<512xf32, #tpu.memory_space<vmem>>, vector<16xf32>,
    %get3A_535 = arith.constant 2 : i32
    %get3A_536 = arith.index_cast %get3A_535 : i32 to index
    %get3A_537 = arith.constant 80 : index
    %get3A_538 = tpu.vector_load %arg9[%get3A_536, %get3A_537] {strides = array<i32>} : memref<4x128xi32, #tpu.memory_space<vmem>>, vector<16xi32>,
    %ge3A_539 = arith.constant 1000 : i32
    %ge3A_540 = vector.broadcast %ge3A_539 : i32 to vector<16xi32>
    %ge3A_541 = arith.cmpi sge, %get3A_538, %ge3A_540 : vector<16xi32>
    %jit3A_542 = arith.constant 1000 : i32
    %jit3A_543 = arith.constant 0 : i32
    %broadcast_in_dim3A_544 = vector.broadcast %jit3A_542 : i32 to vector<16xi32>
    %broadcast_in_dim3A_545 = vector.broadcast %jit3A_543 : i32 to vector<16xi32>
    %select_n3A_546 = arith.select %ge3A_541, %broadcast_in_dim3A_544, %broadcast_in_dim3A_545 : vector<16xi1>, vector<16xi32>
    %sub3A_547 = arith.subi %get3A_538, %select_n3A_546 : vector<16xi32>
    %swap3A_548 = arith.constant 2 : i32
    %swap3A_549 = arith.index_cast %swap3A_548 : i32 to index
    %swap3A_550 = arith.constant 80 : index
    %swap3A_551 = tpu.vector_load %arg9[%swap3A_549, %swap3A_550] {strides = array<i32>} : memref<4x128xi32, #tpu.memory_space<vmem>>, vector<16xi32>,
    tpu.vector_store %arg9[%swap3A_549, %swap3A_550], %sub3A_547 {strides = array<i32>} : memref<4x128xi32, #tpu.memory_space<vmem>>, vector<16xi32>,
    %jit3A_552 = arith.constant -1.000000e+00 : f32
    %jit3A_553 = arith.constant 1.000000e+00 : f32
    %broadcast_in_dim3A_554 = vector.broadcast %jit3A_552 : f32 to vector<16xf32>
    %broadcast_in_dim3A_555 = vector.broadcast %jit3A_553 : f32 to vector<16xf32>
    %select_n3A_556 = arith.select %ge3A_541, %broadcast_in_dim3A_554, %broadcast_in_dim3A_555 : vector<16xi1>, vector<16xf32>
    %swap3A_557 = arith.constant 336 : index
    %swap3A_558 = tpu.vector_load %arg11[%swap3A_557] {strides = array<i32>} : memref<512xf32, #tpu.memory_space<vmem>>, vector<16xf32>,
    tpu.vector_store %arg11[%swap3A_557], %select_n3A_556 {strides = array<i32>} : memref<512xf32, #tpu.memory_space<vmem>>, vector<16xf32>,
    %get3A_559 = arith.constant 2 : i32
    %get3A_560 = arith.index_cast %get3A_559 : i32 to index
    %get3A_561 = arith.constant 96 : index
    %get3A_562 = tpu.vector_load %arg9[%get3A_560, %get3A_561] {strides = array<i32>} : memref<4x128xi32, #tpu.memory_space<vmem>>, vector<16xi32>,
    %ge3A_563 = arith.constant 1000 : i32
    %ge3A_564 = vector.broadcast %ge3A_563 : i32 to vector<16xi32>
    %ge3A_565 = arith.cmpi sge, %get3A_562, %ge3A_564 : vector<16xi32>
    %jit3A_566 = arith.constant 1000 : i32
    %jit3A_567 = arith.constant 0 : i32
    %broadcast_in_dim3A_568 = vector.broadcast %jit3A_566 : i32 to vector<16xi32>
    %broadcast_in_dim3A_569 = vector.broadcast %jit3A_567 : i32 to vector<16xi32>
    %select_n3A_570 = arith.select %ge3A_565, %broadcast_in_dim3A_568, %broadcast_in_dim3A_569 : vector<16xi1>, vector<16xi32>
    %sub3A_571 = arith.subi %get3A_562, %select_n3A_570 : vector<16xi32>
    %swap3A_572 = arith.constant 2 : i32
    %swap3A_573 = arith.index_cast %swap3A_572 : i32 to index
    %swap3A_574 = arith.constant 96 : index
    %swap3A_575 = tpu.vector_load %arg9[%swap3A_573, %swap3A_574] {strides = array<i32>} : memref<4x128xi32, #tpu.memory_space<vmem>>, vector<16xi32>,
    tpu.vector_store %arg9[%swap3A_573, %swap3A_574], %sub3A_571 {strides = array<i32>} : memref<4x128xi32, #tpu.memory_space<vmem>>, vector<16xi32>,
    %jit3A_576 = arith.constant -1.000000e+00 : f32
    %jit3A_577 = arith.constant 1.000000e+00 : f32
    %broadcast_in_dim3A_578 = vector.broadcast %jit3A_576 : f32 to vector<16xf32>
    %broadcast_in_dim3A_579 = vector.broadcast %jit3A_577 : f32 to vector<16xf32>
    %select_n3A_580 = arith.select %ge3A_565, %broadcast_in_dim3A_578, %broadcast_in_dim3A_579 : vector<16xi1>, vector<16xf32>
    %swap3A_581 = arith.constant 352 : index
    %swap3A_582 = tpu.vector_load %arg11[%swap3A_581] {strides = array<i32>} : memref<512xf32, #tpu.memory_space<vmem>>, vector<16xf32>,
    tpu.vector_store %arg11[%swap3A_581], %select_n3A_580 {strides = array<i32>} : memref<512xf32, #tpu.memory_space<vmem>>, vector<16xf32>,
    %get3A_583 = arith.constant 2 : i32
    %get3A_584 = arith.index_cast %get3A_583 : i32 to index
    %get3A_585 = arith.constant 112 : index
    %get3A_586 = tpu.vector_load %arg9[%get3A_584, %get3A_585] {strides = array<i32>} : memref<4x128xi32, #tpu.memory_space<vmem>>, vector<16xi32>,
    %ge3A_587 = arith.constant 1000 : i32
    %ge3A_588 = vector.broadcast %ge3A_587 : i32 to vector<16xi32>
    %ge3A_589 = arith.cmpi sge, %get3A_586, %ge3A_588 : vector<16xi32>
    %jit3A_590 = arith.constant 1000 : i32
    %jit3A_591 = arith.constant 0 : i32
    %broadcast_in_dim3A_592 = vector.broadcast %jit3A_590 : i32 to vector<16xi32>
    %broadcast_in_dim3A_593 = vector.broadcast %jit3A_591 : i32 to vector<16xi32>
    %select_n3A_594 = arith.select %ge3A_589, %broadcast_in_dim3A_592, %broadcast_in_dim3A_593 : vector<16xi1>, vector<16xi32>
    %sub3A_595 = arith.subi %get3A_586, %select_n3A_594 : vector<16xi32>
    %swap3A_596 = arith.constant 2 : i32
    %swap3A_597 = arith.index_cast %swap3A_596 : i32 to index
    %swap3A_598 = arith.constant 112 : index
    %swap3A_599 = tpu.vector_load %arg9[%swap3A_597, %swap3A_598] {strides = array<i32>} : memref<4x128xi32, #tpu.memory_space<vmem>>, vector<16xi32>,
    tpu.vector_store %arg9[%swap3A_597, %swap3A_598], %sub3A_595 {strides = array<i32>} : memref<4x128xi32, #tpu.memory_space<vmem>>, vector<16xi32>,
    %jit3A_600 = arith.constant -1.000000e+00 : f32
    %jit3A_601 = arith.constant 1.000000e+00 : f32
    %broadcast_in_dim3A_602 = vector.broadcast %jit3A_600 : f32 to vector<16xf32>
    %broadcast_in_dim3A_603 = vector.broadcast %jit3A_601 : f32 to vector<16xf32>
    %select_n3A_604 = arith.select %ge3A_589, %broadcast_in_dim3A_602, %broadcast_in_dim3A_603 : vector<16xi1>, vector<16xf32>
    %swap3A_605 = arith.constant 368 : index
    %swap3A_606 = tpu.vector_load %arg11[%swap3A_605] {strides = array<i32>} : memref<512xf32, #tpu.memory_space<vmem>>, vector<16xf32>,
    tpu.vector_store %arg11[%swap3A_605], %select_n3A_604 {strides = array<i32>} : memref<512xf32, #tpu.memory_space<vmem>>, vector<16xf32>,
    %get3A_607 = arith.constant 3 : i32
    %get3A_608 = arith.index_cast %get3A_607 : i32 to index
    %get3A_609 = arith.constant 0 : index
    %get3A_610 = tpu.vector_load %arg9[%get3A_608, %get3A_609] {strides = array<i32>} : memref<4x128xi32, #tpu.memory_space<vmem>>, vector<16xi32>,
    %ge3A_611 = arith.constant 1000 : i32
    %ge3A_612 = vector.broadcast %ge3A_611 : i32 to vector<16xi32>
    %ge3A_613 = arith.cmpi sge, %get3A_610, %ge3A_612 : vector<16xi32>
    %jit3A_614 = arith.constant 1000 : i32
    %jit3A_615 = arith.constant 0 : i32
    %broadcast_in_dim3A_616 = vector.broadcast %jit3A_614 : i32 to vector<16xi32>
    %broadcast_in_dim3A_617 = vector.broadcast %jit3A_615 : i32 to vector<16xi32>
    %select_n3A_618 = arith.select %ge3A_613, %broadcast_in_dim3A_616, %broadcast_in_dim3A_617 : vector<16xi1>, vector<16xi32>
    %sub3A_619 = arith.subi %get3A_610, %select_n3A_618 : vector<16xi32>
    %swap3A_620 = arith.constant 3 : i32
    %swap3A_621 = arith.index_cast %swap3A_620 : i32 to index
    %swap3A_622 = arith.constant 0 : index
    %swap3A_623 = tpu.vector_load %arg9[%swap3A_621, %swap3A_622] {strides = array<i32>} : memref<4x128xi32, #tpu.memory_space<vmem>>, vector<16xi32>,
    tpu.vector_store %arg9[%swap3A_621, %swap3A_622], %sub3A_619 {strides = array<i32>} : memref<4x128xi32, #tpu.memory_space<vmem>>, vector<16xi32>,
    %jit3A_624 = arith.constant -1.000000e+00 : f32
    %jit3A_625 = arith.constant 1.000000e+00 : f32
    %broadcast_in_dim3A_626 = vector.broadcast %jit3A_624 : f32 to vector<16xf32>
    %broadcast_in_dim3A_627 = vector.broadcast %jit3A_625 : f32 to vector<16xf32>
    %select_n3A_628 = arith.select %ge3A_613, %broadcast_in_dim3A_626, %broadcast_in_dim3A_627 : vector<16xi1>, vector<16xf32>
    %swap3A_629 = arith.constant 384 : index
    %swap3A_630 = tpu.vector_load %arg11[%swap3A_629] {strides = array<i32>} : memref<512xf32, #tpu.memory_space<vmem>>, vector<16xf32>,
    tpu.vector_store %arg11[%swap3A_629], %select_n3A_628 {strides = array<i32>} : memref<512xf32, #tpu.memory_space<vmem>>, vector<16xf32>,
    %get3A_631 = arith.constant 3 : i32
    %get3A_632 = arith.index_cast %get3A_631 : i32 to index
    %get3A_633 = arith.constant 16 : index
    %get3A_634 = tpu.vector_load %arg9[%get3A_632, %get3A_633] {strides = array<i32>} : memref<4x128xi32, #tpu.memory_space<vmem>>, vector<16xi32>,
    %ge3A_635 = arith.constant 1000 : i32
    %ge3A_636 = vector.broadcast %ge3A_635 : i32 to vector<16xi32>
    %ge3A_637 = arith.cmpi sge, %get3A_634, %ge3A_636 : vector<16xi32>
    %jit3A_638 = arith.constant 1000 : i32
    %jit3A_639 = arith.constant 0 : i32
    %broadcast_in_dim3A_640 = vector.broadcast %jit3A_638 : i32 to vector<16xi32>
    %broadcast_in_dim3A_641 = vector.broadcast %jit3A_639 : i32 to vector<16xi32>
    %select_n3A_642 = arith.select %ge3A_637, %broadcast_in_dim3A_640, %broadcast_in_dim3A_641 : vector<16xi1>, vector<16xi32>
    %sub3A_643 = arith.subi %get3A_634, %select_n3A_642 : vector<16xi32>
    %swap3A_644 = arith.constant 3 : i32
    %swap3A_645 = arith.index_cast %swap3A_644 : i32 to index
    %swap3A_646 = arith.constant 16 : index
    %swap3A_647 = tpu.vector_load %arg9[%swap3A_645, %swap3A_646] {strides = array<i32>} : memref<4x128xi32, #tpu.memory_space<vmem>>, vector<16xi32>,
    tpu.vector_store %arg9[%swap3A_645, %swap3A_646], %sub3A_643 {strides = array<i32>} : memref<4x128xi32, #tpu.memory_space<vmem>>, vector<16xi32>,
    %jit3A_648 = arith.constant -1.000000e+00 : f32
    %jit3A_649 = arith.constant 1.000000e+00 : f32
    %broadcast_in_dim3A_650 = vector.broadcast %jit3A_648 : f32 to vector<16xf32>
    %broadcast_in_dim3A_651 = vector.broadcast %jit3A_649 : f32 to vector<16xf32>
    %select_n3A_652 = arith.select %ge3A_637, %broadcast_in_dim3A_650, %broadcast_in_dim3A_651 : vector<16xi1>, vector<16xf32>
    %swap3A_653 = arith.constant 400 : index
    %swap3A_654 = tpu.vector_load %arg11[%swap3A_653] {strides = array<i32>} : memref<512xf32, #tpu.memory_space<vmem>>, vector<16xf32>,
    tpu.vector_store %arg11[%swap3A_653], %select_n3A_652 {strides = array<i32>} : memref<512xf32, #tpu.memory_space<vmem>>, vector<16xf32>,
    %get3A_655 = arith.constant 3 : i32
    %get3A_656 = arith.index_cast %get3A_655 : i32 to index
    %get3A_657 = arith.constant 32 : index
    %get3A_658 = tpu.vector_load %arg9[%get3A_656, %get3A_657] {strides = array<i32>} : memref<4x128xi32, #tpu.memory_space<vmem>>, vector<16xi32>,
    %ge3A_659 = arith.constant 1000 : i32
    %ge3A_660 = vector.broadcast %ge3A_659 : i32 to vector<16xi32>
    %ge3A_661 = arith.cmpi sge, %get3A_658, %ge3A_660 : vector<16xi32>
    %jit3A_662 = arith.constant 1000 : i32
    %jit3A_663 = arith.constant 0 : i32
    %broadcast_in_dim3A_664 = vector.broadcast %jit3A_662 : i32 to vector<16xi32>
    %broadcast_in_dim3A_665 = vector.broadcast %jit3A_663 : i32 to vector<16xi32>
    %select_n3A_666 = arith.select %ge3A_661, %broadcast_in_dim3A_664, %broadcast_in_dim3A_665 : vector<16xi1>, vector<16xi32>
    %sub3A_667 = arith.subi %get3A_658, %select_n3A_666 : vector<16xi32>
    %swap3A_668 = arith.constant 3 : i32
    %swap3A_669 = arith.index_cast %swap3A_668 : i32 to index
    %swap3A_670 = arith.constant 32 : index
    %swap3A_671 = tpu.vector_load %arg9[%swap3A_669, %swap3A_670] {strides = array<i32>} : memref<4x128xi32, #tpu.memory_space<vmem>>, vector<16xi32>,
    tpu.vector_store %arg9[%swap3A_669, %swap3A_670], %sub3A_667 {strides = array<i32>} : memref<4x128xi32, #tpu.memory_space<vmem>>, vector<16xi32>,
    %jit3A_672 = arith.constant -1.000000e+00 : f32
    %jit3A_673 = arith.constant 1.000000e+00 : f32
    %broadcast_in_dim3A_674 = vector.broadcast %jit3A_672 : f32 to vector<16xf32>
    %broadcast_in_dim3A_675 = vector.broadcast %jit3A_673 : f32 to vector<16xf32>
    %select_n3A_676 = arith.select %ge3A_661, %broadcast_in_dim3A_674, %broadcast_in_dim3A_675 : vector<16xi1>, vector<16xf32>
    %swap3A_677 = arith.constant 416 : index
    %swap3A_678 = tpu.vector_load %arg11[%swap3A_677] {strides = array<i32>} : memref<512xf32, #tpu.memory_space<vmem>>, vector<16xf32>,
    tpu.vector_store %arg11[%swap3A_677], %select_n3A_676 {strides = array<i32>} : memref<512xf32, #tpu.memory_space<vmem>>, vector<16xf32>,
    %get3A_679 = arith.constant 3 : i32
    %get3A_680 = arith.index_cast %get3A_679 : i32 to index
    %get3A_681 = arith.constant 48 : index
    %get3A_682 = tpu.vector_load %arg9[%get3A_680, %get3A_681] {strides = array<i32>} : memref<4x128xi32, #tpu.memory_space<vmem>>, vector<16xi32>,
    %ge3A_683 = arith.constant 1000 : i32
    %ge3A_684 = vector.broadcast %ge3A_683 : i32 to vector<16xi32>
    %ge3A_685 = arith.cmpi sge, %get3A_682, %ge3A_684 : vector<16xi32>
    %jit3A_686 = arith.constant 1000 : i32
    %jit3A_687 = arith.constant 0 : i32
    %broadcast_in_dim3A_688 = vector.broadcast %jit3A_686 : i32 to vector<16xi32>
    %broadcast_in_dim3A_689 = vector.broadcast %jit3A_687 : i32 to vector<16xi32>
    %select_n3A_690 = arith.select %ge3A_685, %broadcast_in_dim3A_688, %broadcast_in_dim3A_689 : vector<16xi1>, vector<16xi32>
    %sub3A_691 = arith.subi %get3A_682, %select_n3A_690 : vector<16xi32>
    %swap3A_692 = arith.constant 3 : i32
    %swap3A_693 = arith.index_cast %swap3A_692 : i32 to index
    %swap3A_694 = arith.constant 48 : index
    %swap3A_695 = tpu.vector_load %arg9[%swap3A_693, %swap3A_694] {strides = array<i32>} : memref<4x128xi32, #tpu.memory_space<vmem>>, vector<16xi32>,
    tpu.vector_store %arg9[%swap3A_693, %swap3A_694], %sub3A_691 {strides = array<i32>} : memref<4x128xi32, #tpu.memory_space<vmem>>, vector<16xi32>,
    %jit3A_696 = arith.constant -1.000000e+00 : f32
    %jit3A_697 = arith.constant 1.000000e+00 : f32
    %broadcast_in_dim3A_698 = vector.broadcast %jit3A_696 : f32 to vector<16xf32>
    %broadcast_in_dim3A_699 = vector.broadcast %jit3A_697 : f32 to vector<16xf32>
    %select_n3A_700 = arith.select %ge3A_685, %broadcast_in_dim3A_698, %broadcast_in_dim3A_699 : vector<16xi1>, vector<16xf32>
    %swap3A_701 = arith.constant 432 : index
    %swap3A_702 = tpu.vector_load %arg11[%swap3A_701] {strides = array<i32>} : memref<512xf32, #tpu.memory_space<vmem>>, vector<16xf32>,
    tpu.vector_store %arg11[%swap3A_701], %select_n3A_700 {strides = array<i32>} : memref<512xf32, #tpu.memory_space<vmem>>, vector<16xf32>,
    %get3A_703 = arith.constant 3 : i32
    %get3A_704 = arith.index_cast %get3A_703 : i32 to index
    %get3A_705 = arith.constant 64 : index
    %get3A_706 = tpu.vector_load %arg9[%get3A_704, %get3A_705] {strides = array<i32>} : memref<4x128xi32, #tpu.memory_space<vmem>>, vector<16xi32>,
    %ge3A_707 = arith.constant 1000 : i32
    %ge3A_708 = vector.broadcast %ge3A_707 : i32 to vector<16xi32>
    %ge3A_709 = arith.cmpi sge, %get3A_706, %ge3A_708 : vector<16xi32>
    %jit3A_710 = arith.constant 1000 : i32
    %jit3A_711 = arith.constant 0 : i32
    %broadcast_in_dim3A_712 = vector.broadcast %jit3A_710 : i32 to vector<16xi32>
    %broadcast_in_dim3A_713 = vector.broadcast %jit3A_711 : i32 to vector<16xi32>
    %select_n3A_714 = arith.select %ge3A_709, %broadcast_in_dim3A_712, %broadcast_in_dim3A_713 : vector<16xi1>, vector<16xi32>
    %sub3A_715 = arith.subi %get3A_706, %select_n3A_714 : vector<16xi32>
    %swap3A_716 = arith.constant 3 : i32
    %swap3A_717 = arith.index_cast %swap3A_716 : i32 to index
    %swap3A_718 = arith.constant 64 : index
    %swap3A_719 = tpu.vector_load %arg9[%swap3A_717, %swap3A_718] {strides = array<i32>} : memref<4x128xi32, #tpu.memory_space<vmem>>, vector<16xi32>,
    tpu.vector_store %arg9[%swap3A_717, %swap3A_718], %sub3A_715 {strides = array<i32>} : memref<4x128xi32, #tpu.memory_space<vmem>>, vector<16xi32>,
    %jit3A_720 = arith.constant -1.000000e+00 : f32
    %jit3A_721 = arith.constant 1.000000e+00 : f32
    %broadcast_in_dim3A_722 = vector.broadcast %jit3A_720 : f32 to vector<16xf32>
    %broadcast_in_dim3A_723 = vector.broadcast %jit3A_721 : f32 to vector<16xf32>
    %select_n3A_724 = arith.select %ge3A_709, %broadcast_in_dim3A_722, %broadcast_in_dim3A_723 : vector<16xi1>, vector<16xf32>
    %swap3A_725 = arith.constant 448 : index
    %swap3A_726 = tpu.vector_load %arg11[%swap3A_725] {strides = array<i32>} : memref<512xf32, #tpu.memory_space<vmem>>, vector<16xf32>,
    tpu.vector_store %arg11[%swap3A_725], %select_n3A_724 {strides = array<i32>} : memref<512xf32, #tpu.memory_space<vmem>>, vector<16xf32>,
    %get3A_727 = arith.constant 3 : i32
    %get3A_728 = arith.index_cast %get3A_727 : i32 to index
    %get3A_729 = arith.constant 80 : index
    %get3A_730 = tpu.vector_load %arg9[%get3A_728, %get3A_729] {strides = array<i32>} : memref<4x128xi32, #tpu.memory_space<vmem>>, vector<16xi32>,
    %ge3A_731 = arith.constant 1000 : i32
    %ge3A_732 = vector.broadcast %ge3A_731 : i32 to vector<16xi32>
    %ge3A_733 = arith.cmpi sge, %get3A_730, %ge3A_732 : vector<16xi32>
    %jit3A_734 = arith.constant 1000 : i32
    %jit3A_735 = arith.constant 0 : i32
    %broadcast_in_dim3A_736 = vector.broadcast %jit3A_734 : i32 to vector<16xi32>
    %broadcast_in_dim3A_737 = vector.broadcast %jit3A_735 : i32 to vector<16xi32>
    %select_n3A_738 = arith.select %ge3A_733, %broadcast_in_dim3A_736, %broadcast_in_dim3A_737 : vector<16xi1>, vector<16xi32>
    %sub3A_739 = arith.subi %get3A_730, %select_n3A_738 : vector<16xi32>
    %swap3A_740 = arith.constant 3 : i32
    %swap3A_741 = arith.index_cast %swap3A_740 : i32 to index
    %swap3A_742 = arith.constant 80 : index
    %swap3A_743 = tpu.vector_load %arg9[%swap3A_741, %swap3A_742] {strides = array<i32>} : memref<4x128xi32, #tpu.memory_space<vmem>>, vector<16xi32>,
    tpu.vector_store %arg9[%swap3A_741, %swap3A_742], %sub3A_739 {strides = array<i32>} : memref<4x128xi32, #tpu.memory_space<vmem>>, vector<16xi32>,
    %jit3A_744 = arith.constant -1.000000e+00 : f32
    %jit3A_745 = arith.constant 1.000000e+00 : f32
    %broadcast_in_dim3A_746 = vector.broadcast %jit3A_744 : f32 to vector<16xf32>
    %broadcast_in_dim3A_747 = vector.broadcast %jit3A_745 : f32 to vector<16xf32>
    %select_n3A_748 = arith.select %ge3A_733, %broadcast_in_dim3A_746, %broadcast_in_dim3A_747 : vector<16xi1>, vector<16xf32>
    %swap3A_749 = arith.constant 464 : index
    %swap3A_750 = tpu.vector_load %arg11[%swap3A_749] {strides = array<i32>} : memref<512xf32, #tpu.memory_space<vmem>>, vector<16xf32>,
    tpu.vector_store %arg11[%swap3A_749], %select_n3A_748 {strides = array<i32>} : memref<512xf32, #tpu.memory_space<vmem>>, vector<16xf32>,
    %get3A_751 = arith.constant 3 : i32
    %get3A_752 = arith.index_cast %get3A_751 : i32 to index
    %get3A_753 = arith.constant 96 : index
    %get3A_754 = tpu.vector_load %arg9[%get3A_752, %get3A_753] {strides = array<i32>} : memref<4x128xi32, #tpu.memory_space<vmem>>, vector<16xi32>,
    %ge3A_755 = arith.constant 1000 : i32
    %ge3A_756 = vector.broadcast %ge3A_755 : i32 to vector<16xi32>
    %ge3A_757 = arith.cmpi sge, %get3A_754, %ge3A_756 : vector<16xi32>
    %jit3A_758 = arith.constant 1000 : i32
    %jit3A_759 = arith.constant 0 : i32
    %broadcast_in_dim3A_760 = vector.broadcast %jit3A_758 : i32 to vector<16xi32>
    %broadcast_in_dim3A_761 = vector.broadcast %jit3A_759 : i32 to vector<16xi32>
    %select_n3A_762 = arith.select %ge3A_757, %broadcast_in_dim3A_760, %broadcast_in_dim3A_761 : vector<16xi1>, vector<16xi32>
    %sub3A_763 = arith.subi %get3A_754, %select_n3A_762 : vector<16xi32>
    %swap3A_764 = arith.constant 3 : i32
    %swap3A_765 = arith.index_cast %swap3A_764 : i32 to index
    %swap3A_766 = arith.constant 96 : index
    %swap3A_767 = tpu.vector_load %arg9[%swap3A_765, %swap3A_766] {strides = array<i32>} : memref<4x128xi32, #tpu.memory_space<vmem>>, vector<16xi32>,
    tpu.vector_store %arg9[%swap3A_765, %swap3A_766], %sub3A_763 {strides = array<i32>} : memref<4x128xi32, #tpu.memory_space<vmem>>, vector<16xi32>,
    %jit3A_768 = arith.constant -1.000000e+00 : f32
    %jit3A_769 = arith.constant 1.000000e+00 : f32
    %broadcast_in_dim3A_770 = vector.broadcast %jit3A_768 : f32 to vector<16xf32>
    %broadcast_in_dim3A_771 = vector.broadcast %jit3A_769 : f32 to vector<16xf32>
    %select_n3A_772 = arith.select %ge3A_757, %broadcast_in_dim3A_770, %broadcast_in_dim3A_771 : vector<16xi1>, vector<16xf32>
    %swap3A_773 = arith.constant 480 : index
    %swap3A_774 = tpu.vector_load %arg11[%swap3A_773] {strides = array<i32>} : memref<512xf32, #tpu.memory_space<vmem>>, vector<16xf32>,
    tpu.vector_store %arg11[%swap3A_773], %select_n3A_772 {strides = array<i32>} : memref<512xf32, #tpu.memory_space<vmem>>, vector<16xf32>,
    %get3A_775 = arith.constant 3 : i32
    %get3A_776 = arith.index_cast %get3A_775 : i32 to index
    %get3A_777 = arith.constant 112 : index
    %get3A_778 = tpu.vector_load %arg9[%get3A_776, %get3A_777] {strides = array<i32>} : memref<4x128xi32, #tpu.memory_space<vmem>>, vector<16xi32>,
    %ge3A_779 = arith.constant 1000 : i32
    %ge3A_780 = vector.broadcast %ge3A_779 : i32 to vector<16xi32>
    %ge3A_781 = arith.cmpi sge, %get3A_778, %ge3A_780 : vector<16xi32>
    %jit3A_782 = arith.constant 1000 : i32
    %jit3A_783 = arith.constant 0 : i32
    %broadcast_in_dim3A_784 = vector.broadcast %jit3A_782 : i32 to vector<16xi32>
    %broadcast_in_dim3A_785 = vector.broadcast %jit3A_783 : i32 to vector<16xi32>
    %select_n3A_786 = arith.select %ge3A_781, %broadcast_in_dim3A_784, %broadcast_in_dim3A_785 : vector<16xi1>, vector<16xi32>
    %sub3A_787 = arith.subi %get3A_778, %select_n3A_786 : vector<16xi32>
    %swap3A_788 = arith.constant 3 : i32
    %swap3A_789 = arith.index_cast %swap3A_788 : i32 to index
    %swap3A_790 = arith.constant 112 : index
    %swap3A_791 = tpu.vector_load %arg9[%swap3A_789, %swap3A_790] {strides = array<i32>} : memref<4x128xi32, #tpu.memory_space<vmem>>, vector<16xi32>,
    tpu.vector_store %arg9[%swap3A_789, %swap3A_790], %sub3A_787 {strides = array<i32>} : memref<4x128xi32, #tpu.memory_space<vmem>>, vector<16xi32>,
    %jit3A_792 = arith.constant -1.000000e+00 : f32
    %jit3A_793 = arith.constant 1.000000e+00 : f32
    %broadcast_in_dim3A_794 = vector.broadcast %jit3A_792 : f32 to vector<16xf32>
    %broadcast_in_dim3A_795 = vector.broadcast %jit3A_793 : f32 to vector<16xf32>
    %select_n3A_796 = arith.select %ge3A_781, %broadcast_in_dim3A_794, %broadcast_in_dim3A_795 : vector<16xi1>, vector<16xf32>
    %swap3A_797 = arith.constant 496 : index
    %swap3A_798 = tpu.vector_load %arg11[%swap3A_797] {strides = array<i32>} : memref<512xf32, #tpu.memory_space<vmem>>, vector<16xf32>,
    tpu.vector_store %arg11[%swap3A_797], %select_n3A_796 {strides = array<i32>} : memref<512xf32, #tpu.memory_space<vmem>>, vector<16xf32>,
    %dma_start3A = arith.constant 0 : i32
    %dma_start3A_799 = arith.constant 0 : i32
    %dma_start3A_800 = arith.constant 0 : i32
    %dma_start3A_801 = tpu.memref_slice %arg12[%dma_start3A_799, %dma_start3A_800] : memref<512x32xf32, #tpu.memory_space<vmem>> -> memref<128x32xf32, #tpu.memory_space<vmem>>
    %dma_start3A_802 = arith.constant 0 : i32
    %dma_start3A_803 = tpu.memref_slice %arg8[%dma_start3A, %dma_start3A_802] : memref<4x128xi32, #tpu.memory_space<vmem>> -> memref<1x128xi32, #tpu.memory_space<vmem>>
    %dma_start3A_804 = tpu.memref_squeeze %dma_start3A_803 : memref<1x128xi32, #tpu.memory_space<vmem>> -> memref<128xi32, #tpu.memory_space<vmem>>
    %dma_start3A_805 = arith.constant 0 : i32
    %dma_start3A_806 = arith.constant 0 : i32
    %dma_start3A_807 = tpu.memref_slice %arg5[%dma_start3A_805, %dma_start3A_806] : memref<1000000x32xf32, #tpu.memory_space<hbm>> -> memref<1000000x32xf32, #tpu.memory_space<hbm>>
    tpu.enqueue_indirect_dma source(%dma_start3A_807 : memref<1000000x32xf32, #tpu.memory_space<hbm>>) target(%dma_start3A_801 : memref<128x32xf32, #tpu.memory_space<vmem>>) offsets(%dma_start3A_804 : memref<128xi32, #tpu.memory_space<vmem>>) semaphore(%arg16 : memref<!tpu.dma_semaphore, #tpu.memory_space<semaphore_mem>>)
    %dma_start3A_808 = arith.constant 0 : i32
    %dma_start3A_809 = arith.constant 0 : i32
    %dma_start3A_810 = arith.constant 0 : i32
    %dma_start3A_811 = tpu.memref_slice %arg13[%dma_start3A_809, %dma_start3A_810] : memref<512x32xf32, #tpu.memory_space<vmem>> -> memref<128x32xf32, #tpu.memory_space<vmem>>
    %dma_start3A_812 = arith.constant 0 : i32
    %dma_start3A_813 = tpu.memref_slice %arg9[%dma_start3A_808, %dma_start3A_812] : memref<4x128xi32, #tpu.memory_space<vmem>> -> memref<1x128xi32, #tpu.memory_space<vmem>>
    %dma_start3A_814 = tpu.memref_squeeze %dma_start3A_813 : memref<1x128xi32, #tpu.memory_space<vmem>> -> memref<128xi32, #tpu.memory_space<vmem>>
    %dma_start3A_815 = arith.constant 0 : i32
    %dma_start3A_816 = arith.constant 0 : i32
    %dma_start3A_817 = tpu.memref_slice %arg6[%dma_start3A_815, %dma_start3A_816] : memref<1000x32xf32, #tpu.memory_space<hbm>> -> memref<1000x32xf32, #tpu.memory_space<hbm>>
    tpu.enqueue_indirect_dma source(%dma_start3A_817 : memref<1000x32xf32, #tpu.memory_space<hbm>>) target(%dma_start3A_811 : memref<128x32xf32, #tpu.memory_space<vmem>>) offsets(%dma_start3A_814 : memref<128xi32, #tpu.memory_space<vmem>>) semaphore(%arg16 : memref<!tpu.dma_semaphore, #tpu.memory_space<semaphore_mem>>)
    %dma_start3A_818 = arith.constant 0 : i32
    %dma_start3A_819 = arith.constant 0 : i32
    %dma_start3A_820 = arith.constant 0 : i32
    %dma_start3A_821 = tpu.memref_slice %arg14[%dma_start3A_819, %dma_start3A_820] : memref<512x32xf32, #tpu.memory_space<vmem>> -> memref<128x32xf32, #tpu.memory_space<vmem>>
    %dma_start3A_822 = arith.constant 0 : i32
    %dma_start3A_823 = tpu.memref_slice %arg10[%dma_start3A_818, %dma_start3A_822] : memref<4x128xi32, #tpu.memory_space<vmem>> -> memref<1x128xi32, #tpu.memory_space<vmem>>
    %dma_start3A_824 = tpu.memref_squeeze %dma_start3A_823 : memref<1x128xi32, #tpu.memory_space<vmem>> -> memref<128xi32, #tpu.memory_space<vmem>>
    %dma_start3A_825 = arith.constant 0 : i32
    %dma_start3A_826 = arith.constant 0 : i32
    %dma_start3A_827 = tpu.memref_slice %arg5[%dma_start3A_825, %dma_start3A_826] : memref<1000000x32xf32, #tpu.memory_space<hbm>> -> memref<1000000x32xf32, #tpu.memory_space<hbm>>
    tpu.enqueue_indirect_dma source(%dma_start3A_827 : memref<1000000x32xf32, #tpu.memory_space<hbm>>) target(%dma_start3A_821 : memref<128x32xf32, #tpu.memory_space<vmem>>) offsets(%dma_start3A_824 : memref<128xi32, #tpu.memory_space<vmem>>) semaphore(%arg16 : memref<!tpu.dma_semaphore, #tpu.memory_space<semaphore_mem>>)
    %dma_start3A_828 = arith.constant 1 : i32
    %dma_start3A_829 = arith.constant 128 : i32
    %dma_start3A_830 = arith.constant 0 : i32
    %dma_start3A_831 = tpu.memref_slice %arg12[%dma_start3A_829, %dma_start3A_830] : memref<512x32xf32, #tpu.memory_space<vmem>> -> memref<128x32xf32, #tpu.memory_space<vmem>>
    %dma_start3A_832 = arith.constant 0 : i32
    %dma_start3A_833 = tpu.memref_slice %arg8[%dma_start3A_828, %dma_start3A_832] : memref<4x128xi32, #tpu.memory_space<vmem>> -> memref<1x128xi32, #tpu.memory_space<vmem>>
    %dma_start3A_834 = tpu.memref_squeeze %dma_start3A_833 : memref<1x128xi32, #tpu.memory_space<vmem>> -> memref<128xi32, #tpu.memory_space<vmem>>
    %dma_start3A_835 = arith.constant 0 : i32
    %dma_start3A_836 = arith.constant 0 : i32
    %dma_start3A_837 = tpu.memref_slice %arg5[%dma_start3A_835, %dma_start3A_836] : memref<1000000x32xf32, #tpu.memory_space<hbm>> -> memref<1000000x32xf32, #tpu.memory_space<hbm>>
    tpu.enqueue_indirect_dma source(%dma_start3A_837 : memref<1000000x32xf32, #tpu.memory_space<hbm>>) target(%dma_start3A_831 : memref<128x32xf32, #tpu.memory_space<vmem>>) offsets(%dma_start3A_834 : memref<128xi32, #tpu.memory_space<vmem>>) semaphore(%arg16 : memref<!tpu.dma_semaphore, #tpu.memory_space<semaphore_mem>>)
    %dma_start3A_838 = arith.constant 1 : i32
    %dma_start3A_839 = arith.constant 128 : i32
    %dma_start3A_840 = arith.constant 0 : i32
    %dma_start3A_841 = tpu.memref_slice %arg13[%dma_start3A_839, %dma_start3A_840] : memref<512x32xf32, #tpu.memory_space<vmem>> -> memref<128x32xf32, #tpu.memory_space<vmem>>
    %dma_start3A_842 = arith.constant 0 : i32
    %dma_start3A_843 = tpu.memref_slice %arg9[%dma_start3A_838, %dma_start3A_842] : memref<4x128xi32, #tpu.memory_space<vmem>> -> memref<1x128xi32, #tpu.memory_space<vmem>>
    %dma_start3A_844 = tpu.memref_squeeze %dma_start3A_843 : memref<1x128xi32, #tpu.memory_space<vmem>> -> memref<128xi32, #tpu.memory_space<vmem>>
    %dma_start3A_845 = arith.constant 0 : i32
    %dma_start3A_846 = arith.constant 0 : i32
    %dma_start3A_847 = tpu.memref_slice %arg6[%dma_start3A_845, %dma_start3A_846] : memref<1000x32xf32, #tpu.memory_space<hbm>> -> memref<1000x32xf32, #tpu.memory_space<hbm>>
    tpu.enqueue_indirect_dma source(%dma_start3A_847 : memref<1000x32xf32, #tpu.memory_space<hbm>>) target(%dma_start3A_841 : memref<128x32xf32, #tpu.memory_space<vmem>>) offsets(%dma_start3A_844 : memref<128xi32, #tpu.memory_space<vmem>>) semaphore(%arg16 : memref<!tpu.dma_semaphore, #tpu.memory_space<semaphore_mem>>)
    %dma_start3A_848 = arith.constant 1 : i32
    %dma_start3A_849 = arith.constant 128 : i32
    %dma_start3A_850 = arith.constant 0 : i32
    %dma_start3A_851 = tpu.memref_slice %arg14[%dma_start3A_849, %dma_start3A_850] : memref<512x32xf32, #tpu.memory_space<vmem>> -> memref<128x32xf32, #tpu.memory_space<vmem>>
    %dma_start3A_852 = arith.constant 0 : i32
    %dma_start3A_853 = tpu.memref_slice %arg10[%dma_start3A_848, %dma_start3A_852] : memref<4x128xi32, #tpu.memory_space<vmem>> -> memref<1x128xi32, #tpu.memory_space<vmem>>
    %dma_start3A_854 = tpu.memref_squeeze %dma_start3A_853 : memref<1x128xi32, #tpu.memory_space<vmem>> -> memref<128xi32, #tpu.memory_space<vmem>>
    %dma_start3A_855 = arith.constant 0 : i32
    %dma_start3A_856 = arith.constant 0 : i32
    %dma_start3A_857 = tpu.memref_slice %arg5[%dma_start3A_855, %dma_start3A_856] : memref<1000000x32xf32, #tpu.memory_space<hbm>> -> memref<1000000x32xf32, #tpu.memory_space<hbm>>
    tpu.enqueue_indirect_dma source(%dma_start3A_857 : memref<1000000x32xf32, #tpu.memory_space<hbm>>) target(%dma_start3A_851 : memref<128x32xf32, #tpu.memory_space<vmem>>) offsets(%dma_start3A_854 : memref<128xi32, #tpu.memory_space<vmem>>) semaphore(%arg16 : memref<!tpu.dma_semaphore, #tpu.memory_space<semaphore_mem>>)
    %dma_start3A_858 = arith.constant 2 : i32
    %dma_start3A_859 = arith.constant 256 : i32
    %dma_start3A_860 = arith.constant 0 : i32
    %dma_start3A_861 = tpu.memref_slice %arg12[%dma_start3A_859, %dma_start3A_860] : memref<512x32xf32, #tpu.memory_space<vmem>> -> memref<128x32xf32, #tpu.memory_space<vmem>>
    %dma_start3A_862 = arith.constant 0 : i32
    %dma_start3A_863 = tpu.memref_slice %arg8[%dma_start3A_858, %dma_start3A_862] : memref<4x128xi32, #tpu.memory_space<vmem>> -> memref<1x128xi32, #tpu.memory_space<vmem>>
    %dma_start3A_864 = tpu.memref_squeeze %dma_start3A_863 : memref<1x128xi32, #tpu.memory_space<vmem>> -> memref<128xi32, #tpu.memory_space<vmem>>
    %dma_start3A_865 = arith.constant 0 : i32
    %dma_start3A_866 = arith.constant 0 : i32
    %dma_start3A_867 = tpu.memref_slice %arg5[%dma_start3A_865, %dma_start3A_866] : memref<1000000x32xf32, #tpu.memory_space<hbm>> -> memref<1000000x32xf32, #tpu.memory_space<hbm>>
    tpu.enqueue_indirect_dma source(%dma_start3A_867 : memref<1000000x32xf32, #tpu.memory_space<hbm>>) target(%dma_start3A_861 : memref<128x32xf32, #tpu.memory_space<vmem>>) offsets(%dma_start3A_864 : memref<128xi32, #tpu.memory_space<vmem>>) semaphore(%arg16 : memref<!tpu.dma_semaphore, #tpu.memory_space<semaphore_mem>>)
    %dma_start3A_868 = arith.constant 2 : i32
    %dma_start3A_869 = arith.constant 256 : i32
    %dma_start3A_870 = arith.constant 0 : i32
    %dma_start3A_871 = tpu.memref_slice %arg13[%dma_start3A_869, %dma_start3A_870] : memref<512x32xf32, #tpu.memory_space<vmem>> -> memref<128x32xf32, #tpu.memory_space<vmem>>
    %dma_start3A_872 = arith.constant 0 : i32
    %dma_start3A_873 = tpu.memref_slice %arg9[%dma_start3A_868, %dma_start3A_872] : memref<4x128xi32, #tpu.memory_space<vmem>> -> memref<1x128xi32, #tpu.memory_space<vmem>>
    %dma_start3A_874 = tpu.memref_squeeze %dma_start3A_873 : memref<1x128xi32, #tpu.memory_space<vmem>> -> memref<128xi32, #tpu.memory_space<vmem>>
    %dma_start3A_875 = arith.constant 0 : i32
    %dma_start3A_876 = arith.constant 0 : i32
    %dma_start3A_877 = tpu.memref_slice %arg6[%dma_start3A_875, %dma_start3A_876] : memref<1000x32xf32, #tpu.memory_space<hbm>> -> memref<1000x32xf32, #tpu.memory_space<hbm>>
    tpu.enqueue_indirect_dma source(%dma_start3A_877 : memref<1000x32xf32, #tpu.memory_space<hbm>>) target(%dma_start3A_871 : memref<128x32xf32, #tpu.memory_space<vmem>>) offsets(%dma_start3A_874 : memref<128xi32, #tpu.memory_space<vmem>>) semaphore(%arg16 : memref<!tpu.dma_semaphore, #tpu.memory_space<semaphore_mem>>)
    %dma_start3A_878 = arith.constant 2 : i32
    %dma_start3A_879 = arith.constant 256 : i32
    %dma_start3A_880 = arith.constant 0 : i32
    %dma_start3A_881 = tpu.memref_slice %arg14[%dma_start3A_879, %dma_start3A_880] : memref<512x32xf32, #tpu.memory_space<vmem>> -> memref<128x32xf32, #tpu.memory_space<vmem>>
    %dma_start3A_882 = arith.constant 0 : i32
    %dma_start3A_883 = tpu.memref_slice %arg10[%dma_start3A_878, %dma_start3A_882] : memref<4x128xi32, #tpu.memory_space<vmem>> -> memref<1x128xi32, #tpu.memory_space<vmem>>
    %dma_start3A_884 = tpu.memref_squeeze %dma_start3A_883 : memref<1x128xi32, #tpu.memory_space<vmem>> -> memref<128xi32, #tpu.memory_space<vmem>>
    %dma_start3A_885 = arith.constant 0 : i32
    %dma_start3A_886 = arith.constant 0 : i32
    %dma_start3A_887 = tpu.memref_slice %arg5[%dma_start3A_885, %dma_start3A_886] : memref<1000000x32xf32, #tpu.memory_space<hbm>> -> memref<1000000x32xf32, #tpu.memory_space<hbm>>
    tpu.enqueue_indirect_dma source(%dma_start3A_887 : memref<1000000x32xf32, #tpu.memory_space<hbm>>) target(%dma_start3A_881 : memref<128x32xf32, #tpu.memory_space<vmem>>) offsets(%dma_start3A_884 : memref<128xi32, #tpu.memory_space<vmem>>) semaphore(%arg16 : memref<!tpu.dma_semaphore, #tpu.memory_space<semaphore_mem>>)
    %dma_start3A_888 = arith.constant 3 : i32
    %dma_start3A_889 = arith.constant 384 : i32
    %dma_start3A_890 = arith.constant 0 : i32
    %dma_start3A_891 = tpu.memref_slice %arg12[%dma_start3A_889, %dma_start3A_890] : memref<512x32xf32, #tpu.memory_space<vmem>> -> memref<128x32xf32, #tpu.memory_space<vmem>>
    %dma_start3A_892 = arith.constant 0 : i32
    %dma_start3A_893 = tpu.memref_slice %arg8[%dma_start3A_888, %dma_start3A_892] : memref<4x128xi32, #tpu.memory_space<vmem>> -> memref<1x128xi32, #tpu.memory_space<vmem>>
    %dma_start3A_894 = tpu.memref_squeeze %dma_start3A_893 : memref<1x128xi32, #tpu.memory_space<vmem>> -> memref<128xi32, #tpu.memory_space<vmem>>
    %dma_start3A_895 = arith.constant 0 : i32
    %dma_start3A_896 = arith.constant 0 : i32
    %dma_start3A_897 = tpu.memref_slice %arg5[%dma_start3A_895, %dma_start3A_896] : memref<1000000x32xf32, #tpu.memory_space<hbm>> -> memref<1000000x32xf32, #tpu.memory_space<hbm>>
    tpu.enqueue_indirect_dma source(%dma_start3A_897 : memref<1000000x32xf32, #tpu.memory_space<hbm>>) target(%dma_start3A_891 : memref<128x32xf32, #tpu.memory_space<vmem>>) offsets(%dma_start3A_894 : memref<128xi32, #tpu.memory_space<vmem>>) semaphore(%arg16 : memref<!tpu.dma_semaphore, #tpu.memory_space<semaphore_mem>>)
    %dma_start3A_898 = arith.constant 3 : i32
    %dma_start3A_899 = arith.constant 384 : i32
    %dma_start3A_900 = arith.constant 0 : i32
    %dma_start3A_901 = tpu.memref_slice %arg13[%dma_start3A_899, %dma_start3A_900] : memref<512x32xf32, #tpu.memory_space<vmem>> -> memref<128x32xf32, #tpu.memory_space<vmem>>
    %dma_start3A_902 = arith.constant 0 : i32
    %dma_start3A_903 = tpu.memref_slice %arg9[%dma_start3A_898, %dma_start3A_902] : memref<4x128xi32, #tpu.memory_space<vmem>> -> memref<1x128xi32, #tpu.memory_space<vmem>>
    %dma_start3A_904 = tpu.memref_squeeze %dma_start3A_903 : memref<1x128xi32, #tpu.memory_space<vmem>> -> memref<128xi32, #tpu.memory_space<vmem>>
    %dma_start3A_905 = arith.constant 0 : i32
    %dma_start3A_906 = arith.constant 0 : i32
    %dma_start3A_907 = tpu.memref_slice %arg6[%dma_start3A_905, %dma_start3A_906] : memref<1000x32xf32, #tpu.memory_space<hbm>> -> memref<1000x32xf32, #tpu.memory_space<hbm>>
    tpu.enqueue_indirect_dma source(%dma_start3A_907 : memref<1000x32xf32, #tpu.memory_space<hbm>>) target(%dma_start3A_901 : memref<128x32xf32, #tpu.memory_space<vmem>>) offsets(%dma_start3A_904 : memref<128xi32, #tpu.memory_space<vmem>>) semaphore(%arg16 : memref<!tpu.dma_semaphore, #tpu.memory_space<semaphore_mem>>)
    %dma_start3A_908 = arith.constant 3 : i32
    %dma_start3A_909 = arith.constant 384 : i32
    %dma_start3A_910 = arith.constant 0 : i32
    %dma_start3A_911 = tpu.memref_slice %arg14[%dma_start3A_909, %dma_start3A_910] : memref<512x32xf32, #tpu.memory_space<vmem>> -> memref<128x32xf32, #tpu.memory_space<vmem>>
    %dma_start3A_912 = arith.constant 0 : i32
    %dma_start3A_913 = tpu.memref_slice %arg10[%dma_start3A_908, %dma_start3A_912] : memref<4x128xi32, #tpu.memory_space<vmem>> -> memref<1x128xi32, #tpu.memory_space<vmem>>
    %dma_start3A_914 = tpu.memref_squeeze %dma_start3A_913 : memref<1x128xi32, #tpu.memory_space<vmem>> -> memref<128xi32, #tpu.memory_space<vmem>>
    %dma_start3A_915 = arith.constant 0 : i32
    %dma_start3A_916 = arith.constant 0 : i32
    %dma_start3A_917 = tpu.memref_slice %arg5[%dma_start3A_915, %dma_start3A_916] : memref<1000000x32xf32, #tpu.memory_space<hbm>> -> memref<1000000x32xf32, #tpu.memory_space<hbm>>
    tpu.enqueue_indirect_dma source(%dma_start3A_917 : memref<1000000x32xf32, #tpu.memory_space<hbm>>) target(%dma_start3A_911 : memref<128x32xf32, #tpu.memory_space<vmem>>) offsets(%dma_start3A_914 : memref<128xi32, #tpu.memory_space<vmem>>) semaphore(%arg16 : memref<!tpu.dma_semaphore, #tpu.memory_space<semaphore_mem>>)
    %dma_wait3A = arith.constant 0 : i32
    %dma_wait3A_918 = arith.constant 0 : i32
    %dma_wait3A_919 = arith.constant 0 : i32
    %dma_wait3A_920 = tpu.memref_slice %arg12[%dma_wait3A_918, %dma_wait3A_919] : memref<512x32xf32, #tpu.memory_space<vmem>> -> memref<128x32xf32, #tpu.memory_space<vmem>>
    %dma_wait3A_921 = arith.constant 0 : i32
    %dma_wait3A_922 = tpu.memref_slice %arg8[%dma_wait3A, %dma_wait3A_921] : memref<4x128xi32, #tpu.memory_space<vmem>> -> memref<1x128xi32, #tpu.memory_space<vmem>>
    %dma_wait3A_923 = tpu.memref_squeeze %dma_wait3A_922 : memref<1x128xi32, #tpu.memory_space<vmem>> -> memref<128xi32, #tpu.memory_space<vmem>>
    %dma_wait3A_924 = arith.constant 0 : i32
    %dma_wait3A_925 = arith.constant 0 : i32
    %dma_wait3A_926 = tpu.memref_slice %arg5[%dma_wait3A_924, %dma_wait3A_925] : memref<1000000x32xf32, #tpu.memory_space<hbm>> -> memref<1000000x32xf32, #tpu.memory_space<hbm>>
    tpu.wait_indirect_dma semaphore(%arg16 : memref<!tpu.dma_semaphore, #tpu.memory_space<semaphore_mem>>) src(%dma_wait3A_926 : memref<1000000x32xf32, #tpu.memory_space<hbm>>) dst(%dma_wait3A_920 : memref<128x32xf32, #tpu.memory_space<vmem>>)
    %dma_wait3A_927 = arith.constant 0 : i32
    %dma_wait3A_928 = arith.constant 0 : i32
    %dma_wait3A_929 = arith.constant 0 : i32
    %dma_wait3A_930 = tpu.memref_slice %arg13[%dma_wait3A_928, %dma_wait3A_929] : memref<512x32xf32, #tpu.memory_space<vmem>> -> memref<128x32xf32, #tpu.memory_space<vmem>>
    %dma_wait3A_931 = arith.constant 0 : i32
    %dma_wait3A_932 = tpu.memref_slice %arg9[%dma_wait3A_927, %dma_wait3A_931] : memref<4x128xi32, #tpu.memory_space<vmem>> -> memref<1x128xi32, #tpu.memory_space<vmem>>
    %dma_wait3A_933 = tpu.memref_squeeze %dma_wait3A_932 : memref<1x128xi32, #tpu.memory_space<vmem>> -> memref<128xi32, #tpu.memory_space<vmem>>
    %dma_wait3A_934 = arith.constant 0 : i32
    %dma_wait3A_935 = arith.constant 0 : i32
    %dma_wait3A_936 = tpu.memref_slice %arg6[%dma_wait3A_934, %dma_wait3A_935] : memref<1000x32xf32, #tpu.memory_space<hbm>> -> memref<1000x32xf32, #tpu.memory_space<hbm>>
    tpu.wait_indirect_dma semaphore(%arg16 : memref<!tpu.dma_semaphore, #tpu.memory_space<semaphore_mem>>) src(%dma_wait3A_936 : memref<1000x32xf32, #tpu.memory_space<hbm>>) dst(%dma_wait3A_930 : memref<128x32xf32, #tpu.memory_space<vmem>>)
    %dma_wait3A_937 = arith.constant 0 : i32
    %dma_wait3A_938 = arith.constant 0 : i32
    %dma_wait3A_939 = arith.constant 0 : i32
    %dma_wait3A_940 = tpu.memref_slice %arg14[%dma_wait3A_938, %dma_wait3A_939] : memref<512x32xf32, #tpu.memory_space<vmem>> -> memref<128x32xf32, #tpu.memory_space<vmem>>
    %dma_wait3A_941 = arith.constant 0 : i32
    %dma_wait3A_942 = tpu.memref_slice %arg10[%dma_wait3A_937, %dma_wait3A_941] : memref<4x128xi32, #tpu.memory_space<vmem>> -> memref<1x128xi32, #tpu.memory_space<vmem>>
    %dma_wait3A_943 = tpu.memref_squeeze %dma_wait3A_942 : memref<1x128xi32, #tpu.memory_space<vmem>> -> memref<128xi32, #tpu.memory_space<vmem>>
    %dma_wait3A_944 = arith.constant 0 : i32
    %dma_wait3A_945 = arith.constant 0 : i32
    %dma_wait3A_946 = tpu.memref_slice %arg5[%dma_wait3A_944, %dma_wait3A_945] : memref<1000000x32xf32, #tpu.memory_space<hbm>> -> memref<1000000x32xf32, #tpu.memory_space<hbm>>
    tpu.wait_indirect_dma semaphore(%arg16 : memref<!tpu.dma_semaphore, #tpu.memory_space<semaphore_mem>>) src(%dma_wait3A_946 : memref<1000000x32xf32, #tpu.memory_space<hbm>>) dst(%dma_wait3A_940 : memref<128x32xf32, #tpu.memory_space<vmem>>)
    %dma_wait3A_947 = arith.constant 1 : i32
    %dma_wait3A_948 = arith.constant 128 : i32
    %dma_wait3A_949 = arith.constant 0 : i32
    %dma_wait3A_950 = tpu.memref_slice %arg12[%dma_wait3A_948, %dma_wait3A_949] : memref<512x32xf32, #tpu.memory_space<vmem>> -> memref<128x32xf32, #tpu.memory_space<vmem>>
    %dma_wait3A_951 = arith.constant 0 : i32
    %dma_wait3A_952 = tpu.memref_slice %arg8[%dma_wait3A_947, %dma_wait3A_951] : memref<4x128xi32, #tpu.memory_space<vmem>> -> memref<1x128xi32, #tpu.memory_space<vmem>>
    %dma_wait3A_953 = tpu.memref_squeeze %dma_wait3A_952 : memref<1x128xi32, #tpu.memory_space<vmem>> -> memref<128xi32, #tpu.memory_space<vmem>>
    %dma_wait3A_954 = arith.constant 0 : i32
    %dma_wait3A_955 = arith.constant 0 : i32
    %dma_wait3A_956 = tpu.memref_slice %arg5[%dma_wait3A_954, %dma_wait3A_955] : memref<1000000x32xf32, #tpu.memory_space<hbm>> -> memref<1000000x32xf32, #tpu.memory_space<hbm>>
    tpu.wait_indirect_dma semaphore(%arg16 : memref<!tpu.dma_semaphore, #tpu.memory_space<semaphore_mem>>) src(%dma_wait3A_956 : memref<1000000x32xf32, #tpu.memory_space<hbm>>) dst(%dma_wait3A_950 : memref<128x32xf32, #tpu.memory_space<vmem>>)
    %dma_wait3A_957 = arith.constant 1 : i32
    %dma_wait3A_958 = arith.constant 128 : i32
    %dma_wait3A_959 = arith.constant 0 : i32
    %dma_wait3A_960 = tpu.memref_slice %arg13[%dma_wait3A_958, %dma_wait3A_959] : memref<512x32xf32, #tpu.memory_space<vmem>> -> memref<128x32xf32, #tpu.memory_space<vmem>>
    %dma_wait3A_961 = arith.constant 0 : i32
    %dma_wait3A_962 = tpu.memref_slice %arg9[%dma_wait3A_957, %dma_wait3A_961] : memref<4x128xi32, #tpu.memory_space<vmem>> -> memref<1x128xi32, #tpu.memory_space<vmem>>
    %dma_wait3A_963 = tpu.memref_squeeze %dma_wait3A_962 : memref<1x128xi32, #tpu.memory_space<vmem>> -> memref<128xi32, #tpu.memory_space<vmem>>
    %dma_wait3A_964 = arith.constant 0 : i32
    %dma_wait3A_965 = arith.constant 0 : i32
    %dma_wait3A_966 = tpu.memref_slice %arg6[%dma_wait3A_964, %dma_wait3A_965] : memref<1000x32xf32, #tpu.memory_space<hbm>> -> memref<1000x32xf32, #tpu.memory_space<hbm>>
    tpu.wait_indirect_dma semaphore(%arg16 : memref<!tpu.dma_semaphore, #tpu.memory_space<semaphore_mem>>) src(%dma_wait3A_966 : memref<1000x32xf32, #tpu.memory_space<hbm>>) dst(%dma_wait3A_960 : memref<128x32xf32, #tpu.memory_space<vmem>>)
    %dma_wait3A_967 = arith.constant 1 : i32
    %dma_wait3A_968 = arith.constant 128 : i32
    %dma_wait3A_969 = arith.constant 0 : i32
    %dma_wait3A_970 = tpu.memref_slice %arg14[%dma_wait3A_968, %dma_wait3A_969] : memref<512x32xf32, #tpu.memory_space<vmem>> -> memref<128x32xf32, #tpu.memory_space<vmem>>
    %dma_wait3A_971 = arith.constant 0 : i32
    %dma_wait3A_972 = tpu.memref_slice %arg10[%dma_wait3A_967, %dma_wait3A_971] : memref<4x128xi32, #tpu.memory_space<vmem>> -> memref<1x128xi32, #tpu.memory_space<vmem>>
    %dma_wait3A_973 = tpu.memref_squeeze %dma_wait3A_972 : memref<1x128xi32, #tpu.memory_space<vmem>> -> memref<128xi32, #tpu.memory_space<vmem>>
    %dma_wait3A_974 = arith.constant 0 : i32
    %dma_wait3A_975 = arith.constant 0 : i32
    %dma_wait3A_976 = tpu.memref_slice %arg5[%dma_wait3A_974, %dma_wait3A_975] : memref<1000000x32xf32, #tpu.memory_space<hbm>> -> memref<1000000x32xf32, #tpu.memory_space<hbm>>
    tpu.wait_indirect_dma semaphore(%arg16 : memref<!tpu.dma_semaphore, #tpu.memory_space<semaphore_mem>>) src(%dma_wait3A_976 : memref<1000000x32xf32, #tpu.memory_space<hbm>>) dst(%dma_wait3A_970 : memref<128x32xf32, #tpu.memory_space<vmem>>)
    %dma_wait3A_977 = arith.constant 2 : i32
    %dma_wait3A_978 = arith.constant 256 : i32
    %dma_wait3A_979 = arith.constant 0 : i32
    %dma_wait3A_980 = tpu.memref_slice %arg12[%dma_wait3A_978, %dma_wait3A_979] : memref<512x32xf32, #tpu.memory_space<vmem>> -> memref<128x32xf32, #tpu.memory_space<vmem>>
    %dma_wait3A_981 = arith.constant 0 : i32
    %dma_wait3A_982 = tpu.memref_slice %arg8[%dma_wait3A_977, %dma_wait3A_981] : memref<4x128xi32, #tpu.memory_space<vmem>> -> memref<1x128xi32, #tpu.memory_space<vmem>>
    %dma_wait3A_983 = tpu.memref_squeeze %dma_wait3A_982 : memref<1x128xi32, #tpu.memory_space<vmem>> -> memref<128xi32, #tpu.memory_space<vmem>>
    %dma_wait3A_984 = arith.constant 0 : i32
    %dma_wait3A_985 = arith.constant 0 : i32
    %dma_wait3A_986 = tpu.memref_slice %arg5[%dma_wait3A_984, %dma_wait3A_985] : memref<1000000x32xf32, #tpu.memory_space<hbm>> -> memref<1000000x32xf32, #tpu.memory_space<hbm>>
    tpu.wait_indirect_dma semaphore(%arg16 : memref<!tpu.dma_semaphore, #tpu.memory_space<semaphore_mem>>) src(%dma_wait3A_986 : memref<1000000x32xf32, #tpu.memory_space<hbm>>) dst(%dma_wait3A_980 : memref<128x32xf32, #tpu.memory_space<vmem>>)
    %dma_wait3A_987 = arith.constant 2 : i32
    %dma_wait3A_988 = arith.constant 256 : i32
    %dma_wait3A_989 = arith.constant 0 : i32
    %dma_wait3A_990 = tpu.memref_slice %arg13[%dma_wait3A_988, %dma_wait3A_989] : memref<512x32xf32, #tpu.memory_space<vmem>> -> memref<128x32xf32, #tpu.memory_space<vmem>>
    %dma_wait3A_991 = arith.constant 0 : i32
    %dma_wait3A_992 = tpu.memref_slice %arg9[%dma_wait3A_987, %dma_wait3A_991] : memref<4x128xi32, #tpu.memory_space<vmem>> -> memref<1x128xi32, #tpu.memory_space<vmem>>
    %dma_wait3A_993 = tpu.memref_squeeze %dma_wait3A_992 : memref<1x128xi32, #tpu.memory_space<vmem>> -> memref<128xi32, #tpu.memory_space<vmem>>
    %dma_wait3A_994 = arith.constant 0 : i32
    %dma_wait3A_995 = arith.constant 0 : i32
    %dma_wait3A_996 = tpu.memref_slice %arg6[%dma_wait3A_994, %dma_wait3A_995] : memref<1000x32xf32, #tpu.memory_space<hbm>> -> memref<1000x32xf32, #tpu.memory_space<hbm>>
    tpu.wait_indirect_dma semaphore(%arg16 : memref<!tpu.dma_semaphore, #tpu.memory_space<semaphore_mem>>) src(%dma_wait3A_996 : memref<1000x32xf32, #tpu.memory_space<hbm>>) dst(%dma_wait3A_990 : memref<128x32xf32, #tpu.memory_space<vmem>>)
    %dma_wait3A_997 = arith.constant 2 : i32
    %dma_wait3A_998 = arith.constant 256 : i32
    %dma_wait3A_999 = arith.constant 0 : i32
    %dma_wait3A_1000 = tpu.memref_slice %arg14[%dma_wait3A_998, %dma_wait3A_999] : memref<512x32xf32, #tpu.memory_space<vmem>> -> memref<128x32xf32, #tpu.memory_space<vmem>>
    %dma_wait3A_1001 = arith.constant 0 : i32
    %dma_wait3A_1002 = tpu.memref_slice %arg10[%dma_wait3A_997, %dma_wait3A_1001] : memref<4x128xi32, #tpu.memory_space<vmem>> -> memref<1x128xi32, #tpu.memory_space<vmem>>
    %dma_wait3A_1003 = tpu.memref_squeeze %dma_wait3A_1002 : memref<1x128xi32, #tpu.memory_space<vmem>> -> memref<128xi32, #tpu.memory_space<vmem>>
    %dma_wait3A_1004 = arith.constant 0 : i32
    %dma_wait3A_1005 = arith.constant 0 : i32
    %dma_wait3A_1006 = tpu.memref_slice %arg5[%dma_wait3A_1004, %dma_wait3A_1005] : memref<1000000x32xf32, #tpu.memory_space<hbm>> -> memref<1000000x32xf32, #tpu.memory_space<hbm>>
    tpu.wait_indirect_dma semaphore(%arg16 : memref<!tpu.dma_semaphore, #tpu.memory_space<semaphore_mem>>) src(%dma_wait3A_1006 : memref<1000000x32xf32, #tpu.memory_space<hbm>>) dst(%dma_wait3A_1000 : memref<128x32xf32, #tpu.memory_space<vmem>>)
    %dma_wait3A_1007 = arith.constant 3 : i32
    %dma_wait3A_1008 = arith.constant 384 : i32
    %dma_wait3A_1009 = arith.constant 0 : i32
    %dma_wait3A_1010 = tpu.memref_slice %arg12[%dma_wait3A_1008, %dma_wait3A_1009] : memref<512x32xf32, #tpu.memory_space<vmem>> -> memref<128x32xf32, #tpu.memory_space<vmem>>
    %dma_wait3A_1011 = arith.constant 0 : i32
    %dma_wait3A_1012 = tpu.memref_slice %arg8[%dma_wait3A_1007, %dma_wait3A_1011] : memref<4x128xi32, #tpu.memory_space<vmem>> -> memref<1x128xi32, #tpu.memory_space<vmem>>
    %dma_wait3A_1013 = tpu.memref_squeeze %dma_wait3A_1012 : memref<1x128xi32, #tpu.memory_space<vmem>> -> memref<128xi32, #tpu.memory_space<vmem>>
    %dma_wait3A_1014 = arith.constant 0 : i32
    %dma_wait3A_1015 = arith.constant 0 : i32
    %dma_wait3A_1016 = tpu.memref_slice %arg5[%dma_wait3A_1014, %dma_wait3A_1015] : memref<1000000x32xf32, #tpu.memory_space<hbm>> -> memref<1000000x32xf32, #tpu.memory_space<hbm>>
    tpu.wait_indirect_dma semaphore(%arg16 : memref<!tpu.dma_semaphore, #tpu.memory_space<semaphore_mem>>) src(%dma_wait3A_1016 : memref<1000000x32xf32, #tpu.memory_space<hbm>>) dst(%dma_wait3A_1010 : memref<128x32xf32, #tpu.memory_space<vmem>>)
    %dma_wait3A_1017 = arith.constant 3 : i32
    %dma_wait3A_1018 = arith.constant 384 : i32
    %dma_wait3A_1019 = arith.constant 0 : i32
    %dma_wait3A_1020 = tpu.memref_slice %arg13[%dma_wait3A_1018, %dma_wait3A_1019] : memref<512x32xf32, #tpu.memory_space<vmem>> -> memref<128x32xf32, #tpu.memory_space<vmem>>
    %dma_wait3A_1021 = arith.constant 0 : i32
    %dma_wait3A_1022 = tpu.memref_slice %arg9[%dma_wait3A_1017, %dma_wait3A_1021] : memref<4x128xi32, #tpu.memory_space<vmem>> -> memref<1x128xi32, #tpu.memory_space<vmem>>
    %dma_wait3A_1023 = tpu.memref_squeeze %dma_wait3A_1022 : memref<1x128xi32, #tpu.memory_space<vmem>> -> memref<128xi32, #tpu.memory_space<vmem>>
    %dma_wait3A_1024 = arith.constant 0 : i32
    %dma_wait3A_1025 = arith.constant 0 : i32
    %dma_wait3A_1026 = tpu.memref_slice %arg6[%dma_wait3A_1024, %dma_wait3A_1025] : memref<1000x32xf32, #tpu.memory_space<hbm>> -> memref<1000x32xf32, #tpu.memory_space<hbm>>
    tpu.wait_indirect_dma semaphore(%arg16 : memref<!tpu.dma_semaphore, #tpu.memory_space<semaphore_mem>>) src(%dma_wait3A_1026 : memref<1000x32xf32, #tpu.memory_space<hbm>>) dst(%dma_wait3A_1020 : memref<128x32xf32, #tpu.memory_space<vmem>>)
    %dma_wait3A_1027 = arith.constant 3 : i32
    %dma_wait3A_1028 = arith.constant 384 : i32
    %dma_wait3A_1029 = arith.constant 0 : i32
    %dma_wait3A_1030 = tpu.memref_slice %arg14[%dma_wait3A_1028, %dma_wait3A_1029] : memref<512x32xf32, #tpu.memory_space<vmem>> -> memref<128x32xf32, #tpu.memory_space<vmem>>
    %dma_wait3A_1031 = arith.constant 0 : i32
    %dma_wait3A_1032 = tpu.memref_slice %arg10[%dma_wait3A_1027, %dma_wait3A_1031] : memref<4x128xi32, #tpu.memory_space<vmem>> -> memref<1x128xi32, #tpu.memory_space<vmem>>
    %dma_wait3A_1033 = tpu.memref_squeeze %dma_wait3A_1032 : memref<1x128xi32, #tpu.memory_space<vmem>> -> memref<128xi32, #tpu.memory_space<vmem>>
    %dma_wait3A_1034 = arith.constant 0 : i32
    %dma_wait3A_1035 = arith.constant 0 : i32
    %dma_wait3A_1036 = tpu.memref_slice %arg5[%dma_wait3A_1034, %dma_wait3A_1035] : memref<1000000x32xf32, #tpu.memory_space<hbm>> -> memref<1000000x32xf32, #tpu.memory_space<hbm>>
    tpu.wait_indirect_dma semaphore(%arg16 : memref<!tpu.dma_semaphore, #tpu.memory_space<semaphore_mem>>) src(%dma_wait3A_1036 : memref<1000000x32xf32, #tpu.memory_space<hbm>>) dst(%dma_wait3A_1030 : memref<128x32xf32, #tpu.memory_space<vmem>>)
    %iota3A = tpu.iota {dimensions = array<i32: 0>} : vector<16xi32>
    %scan3A = arith.constant 0 : i32
    %scan3A_1037 = arith.constant 0 : i32
    %scan3A_1038 = arith.constant 32 : i32
    %scan3A_1039 = arith.addi %scan3A_1037, %scan3A_1038 : i32
    %scan3A_1040 = arith.constant 1 : i32
    %scan3A_1041 = scf.for %scan3A_1043 = %scan3A_1037 to %scan3A_1039 step %scan3A_1040 iter_args(%scan3A_1044 = %scan3A) -> (i32)  : i32 {
      %mul3A_1045 = arith.constant 16 : i32
      %mul3A_1046 = arith.muli %scan3A_1043, %mul3A_1045 : i32
      %multiple_of3A_1047 = tpu.assume_multiple %mul3A_1046, 16 : i32
      %mul3A_1048 = arith.constant 16 : i32
      %mul3A_1049 = arith.muli %scan3A_1043, %mul3A_1048 : i32
      %add3A_1050 = vector.broadcast %mul3A_1049 : i32 to vector<16xi32>
      %add3A_1051 = arith.addi %add3A_1050, %iota3A : vector<16xi32>
      %get3A_1052 = arith.index_cast %multiple_of3A_1047 : i32 to index
      %get3A_1053 = tpu.vector_load %arg11[%get3A_1052] {strides = array<i32>} : memref<512xf32, #tpu.memory_space<vmem>>, vector<16xf32>,
      %broadcast_in_dim3A_1054 = arith.constant 0.000000e+00 : f32
      %broadcast_in_dim3A_1055 = vector.broadcast %broadcast_in_dim3A_1054 : f32 to vector<16xf32>
      %scan3A_1056 = arith.constant 0 : i32
      %scan3A_1057 = arith.constant 32 : i32
      %scan3A_1058 = arith.addi %scan3A_1056, %scan3A_1057 : i32
      %scan3A_1059 = arith.constant 1 : i32
      %scan3A_1060 = scf.for %scan3A_1068 = %scan3A_1056 to %scan3A_1058 step %scan3A_1059 iter_args(%scan3A_1069 = %broadcast_in_dim3A_1055) -> (vector<16xf32>)  : i32 {
        %broadcast_in_dim3A_1070 = arith.constant 0 : i32
        %broadcast_in_dim3A_1071 = vector.broadcast %broadcast_in_dim3A_1070 : i32 to vector<16xi32>
        %add3A_1072 = vector.broadcast %scan3A_1068 : i32 to vector<16xi32>
        %add3A_1073 = arith.addi %broadcast_in_dim3A_1071, %add3A_1072 : vector<16xi32>
        %gather3A = tpu.vector_load_idx %arg12[%add3A_1051, %add3A_1073] : memref<512x32xf32, #tpu.memory_space<vmem>>[vector<16xi32>, vector<16xi32>], vector<16xf32>,
        %gather3A_1074 = tpu.vector_load_idx %arg13[%add3A_1051, %add3A_1073] : memref<512x32xf32, #tpu.memory_space<vmem>>[vector<16xi32>, vector<16xi32>], vector<16xf32>,
        %gather3A_1075 = tpu.vector_load_idx %arg14[%add3A_1051, %add3A_1073] : memref<512x32xf32, #tpu.memory_space<vmem>>[vector<16xi32>, vector<16xi32>], vector<16xf32>,
        %mul3A_1076 = arith.mulf %get3A_1053, %gather3A_1074 : vector<16xf32>
        %add3A_1077 = arith.addf %gather3A, %mul3A_1076 : vector<16xf32>
        %sub3A_1078 = arith.subf %add3A_1077, %gather3A_1075 : vector<16xf32>
        %abs3A = math.absf %sub3A_1078 : vector<16xf32>
        %add3A_1079 = arith.addf %scan3A_1069, %abs3A : vector<16xf32>
        scf.yield %add3A_1079 : vector<16xf32>
      }
      %scan3A_1061 = arith.constant 32 : i32
      %sub3A_1062 = arith.constant 1.200000e+01 : f32
      %sub3A_1063 = vector.broadcast %sub3A_1062 : f32 to vector<16xf32>
      %sub3A_1064 = arith.subf %sub3A_1063, %scan3A_1060 : vector<16xf32>
      %swap3A_1065 = arith.index_cast %multiple_of3A_1047 : i32 to index
      %swap3A_1066 = tpu.vector_load %arg15[%swap3A_1065] {strides = array<i32>} : memref<512xf32, #tpu.memory_space<vmem>>, vector<16xf32>,
      tpu.vector_store %arg15[%swap3A_1065], %sub3A_1064 {strides = array<i32>} : memref<512xf32, #tpu.memory_space<vmem>>, vector<16xf32>,
      %scan3A_1067 = arith.constant 0 : i32
      scf.yield %scan3A_1067 : i32
    }
    %scan3A_1042 = arith.constant 32 : i32
    "tpu.region"() ({
      %run_scoped3A_1043 = tpu.sem_alloc : memref<!tpu.dma_semaphore, #tpu.memory_space<semaphore_mem>>
      %dma_start3A_1044 = tpu.memref_slice %arg7[%multiple_of3A] : memref<16384xf32, #tpu.memory_space<hbm>> -> memref<512xf32, #tpu.memory_space<hbm>>
      %dma_start3A_1045 = tpu.memref_slice %arg7[%multiple_of3A] : memref<16384xf32, #tpu.memory_space<hbm>> -> memref<512xf32, #tpu.memory_space<hbm>>
      tpu.enqueue_dma source(%arg15 : memref<512xf32, #tpu.memory_space<vmem>>) target(%dma_start3A_1045 : memref<512xf32, #tpu.memory_space<hbm>>) target_semaphore(%run_scoped3A_1043 : memref<!tpu.dma_semaphore, #tpu.memory_space<semaphore_mem>>)
      %dma_wait3A_1046 = tpu.memref_slice %arg7[%multiple_of3A] : memref<16384xf32, #tpu.memory_space<hbm>> -> memref<512xf32, #tpu.memory_space<hbm>>
      %dma_wait3A_1047 = tpu.memref_slice %arg7[%multiple_of3A] : memref<16384xf32, #tpu.memory_space<hbm>> -> memref<512xf32, #tpu.memory_space<hbm>>
      tpu.wait_dma2 semaphore(%run_scoped3A_1043 : memref<!tpu.dma_semaphore, #tpu.memory_space<semaphore_mem>>) src(%arg15 : memref<512xf32, #tpu.memory_space<vmem>>) dst(%dma_wait3A_1047 : memref<512xf32, #tpu.memory_space<hbm>>)
      tpu.yield
    }) : () -> ()
    return
  }
}

</mosaic_0001>

<sc_bundles>
// kernel: kernel.3.cloned.1.call-start
scs
__scs_entry_jumppad:
0x0: {  	(pc) =	sbr.rel $0x88, $3  }
0x1: {  	(tag) =	ssettag $0x0;
	lr =	simm.s32 $0x1  }
0x2: {  	[smem:$0x3F9C] =	sst lr;
	_ =	strace $0xD0000000  }
0x3: {  	_ = 	snop  }
0x4: {  	_ = 	snop  }
0x5: {  	_ = 	snop  }
0x6: {  	_ = 	snop  }
0x7: {  	_ = 	snop  }
__scs_overlays_trampoline_lowered:
0x8: {  	[smem:$0x3FAB] =	sst s0  }
0x9: {  	[smem:$0x3FAC] =	sst s1  }
0xa: {  	[smem:$0x3FAD] =	sst s2  }
0xb: {  	[smem:$0x3FAE] =	sst s3  }
0xc: {  	[smem:$0x3FAF] =	sst s4  }
0xd: {  	[smem:$0x3FB0] =	sst s5  }
0xe: {  	[smem:$0x3FB1] =	sst s6  }
0xf: {  	[smem:$0x3FB2] =	sst s7  }
0x10: {  	[smem:$0x3FB3] =	sst s8  }
0x11: {  	[smem:$0x3FB4] =	sst s9;
	s0 =	simm.s32 @!p0 $0x0  }
0x12: {  	s1 =	sld [smem:$0x3F9A];
	s0 =	simm.s32 @p0 $0x1  }
0x13: {  	[smem:$0x3FB5] =	sst s0;
	s0 =	simm.s32 @!p1 $0x0  }
0x14: {  	s2 =	sld [smem:$0x3F99];
	s0 =	simm.s32 @p1 $0x1  }
0x15: {  	[smem:$0x3FB6] =	sst s0;
	s0 =	simm.s32 @!p2 $0x0  }
0x16: {  	s3 =	sld [smem:$0x3FDB];
	s0 =	simm.s32 @p2 $0x1  }
0x17: {  	s4 =	simm.s32 $0x1BF5;
	[smem:$0x3FB8] =	sst s0  }
0x18: {  	s0 =	sld [smem:$0x3F9B];
	_ =	swait.ge [sflag:s4], $0x0  }
0x19: {  	s7 =	sld [smem:$0x3F9C]  }
0x1a: {  	s8 =	sadd.s32 $0xFFFFE003, lr  }
0x1b: {  	s9 =	sadd.s32 $0xFFFFFEF7, lr;
	s5 =	simm.s32 $0xFFFFFFFF;
	p2 =	slt.u32 s8, $0xFFFFF086  }
0x1c: {  	p1 =	slt.u32 s9, $0xF7A;
	s5 =	simm.s32 @!p2 $0x0  }
0x1d: {  	s5 =	simm.s32 @p1 $0x1;
	p0 =	seq.s32 s7, s2  }
0x1e: {  	s7 =	smul.u32 @!p0 $0xF7A, s2;
	p2 =	seq.s32 @!p0 s5, $0x0  }
0x1f: {  	s9 =	smul.u32 $0xF7A, s1;
	s8 =	simm.s32 @!p0 $0x1BF5;
	p2 =	por !p2, p0  }
0x20: {  	[sflag:s8] =	ssyncset.s32 @!p0 $0xFFFFF086;
	s6 =	sadd.s32 @!p0 s3, s7;
	s7 =	simm.s32 @!p0 $0x108  }
0x21: {  	s3 =	sadd.s32 s3, s9;
	s6 =	sadd.s32 @!p0 $0x88, s6;
	s7 =	simm.s32 @p2 $0x1082  }
0x22: {  	[simem:s7], [sflag:s8] =	dma.local @!p0 [hbm:s6], $0xF7A  }
0x23: {  	s9 =	sor.u32 $0xD0000000, s2;
	s6 =	simm.s32 $0x108;
	_ =	swait.ge @!p0 [sflag:s8], $0x0  }
0x24: {  	s3 =	sadd.s32 $0x88, s3;
	s6 =	simm.s32 @!p1 $0x1082;
	[sflag:s4] =	ssyncset.s32 $0xFFFFF086  }
0x25: {  	[simem:s6], [sflag:s4] =	dma.local [hbm:s3], $0xF7A  }
0x26: {  	[smem:$0x3F9C] =	sst s1;
	(tag) =	ssettag s2;
	_ =	strace s9  }
0x27: {  	s1 =	sld [smem:$0x3FAC]  }
0x28: {  	s2 =	sld [smem:$0x3FAD]  }
0x29: {  	s4 =	sld [smem:$0x3FAF]  }
0x2a: {  	p0 =	seq.s32 s5, $0x0;
	s5 =	sld [smem:$0x3FB0]  }
0x2b: {  	s6 =	sld [smem:$0x3FB1]  }
0x2c: {  	s7 =	sld [smem:$0x3FB2]  }
0x2d: {  	s3 =	simm.s32 $0x108;
	s8 =	sld [smem:$0x3FB3]  }
0x2e: {  	s3 =	simm.s32 @!p0 $0x1082;
	s9 =	sld [smem:$0x3FB4]  }
0x2f: {  	lr =	sadd.s32 s0, s3;
	s0 =	sld [smem:$0x3FAB]  }
0x30: {  	s3 =	sld [smem:$0x3FAE]  }
0x31: {  	[smem:$0x3FB7] =	sst s10  }
0x32: {  	s10 =	sld [smem:$0x3FB5];
	_ =	sdelay $0x3  }
0x33: {  	p0 =	seq.s32 s10, $0x1;
	s10 =	sld [smem:$0x3FB7];
	_ =	sdelay $0x3  }
0x34: {  	[smem:$0x3FB7] =	sst s10  }
0x35: {  	s10 =	sld [smem:$0x3FB6];
	_ =	sdelay $0x3  }
0x36: {  	p1 =	seq.s32 s10, $0x1;
	s10 =	sld [smem:$0x3FB7];
	_ =	sdelay $0x3  }
0x37: {  	[smem:$0x3FB7] =	sst s10  }
0x38: {  	s10 =	sld [smem:$0x3FB8]  }
0x39: {  	_ = 	snop;
	(pc) =	sbr.ind lr, $3  }
0x3a: {  	_ = 	snop  }
0x3b: {  	_ = 	snop  }
0x3c: {  	p2 =	seq.s32 s10, $0x1;
	s10 =	sld [smem:$0x3FB7]  }
0x3d: {  	_ =	shalt  }
0x3e: {  	_ =	shalt  }
0x3f: {  	_ =	shalt  }
0x40: {  	_ =	shalt  }
0x41: {  	_ =	shalt  }
0x42: {  	_ =	shalt  }
0x43: {  	_ =	shalt  }
0x44: {  	_ =	shalt  }
0x45: {  	_ =	shalt  }
0x46: {  	_ =	shalt  }
0x47: {  	_ =	shalt  }
0x48: {  	_ =	shalt  }
0x49: {  	_ =	shalt  }
0x4a: {  	_ =	shalt  }
0x4b: {  	_ =	shalt  }
0x4c: {  	_ =	shalt  }
0x4d: {  	_ =	shalt  }
0x4e: {  	_ =	shalt  }
0x4f: {  	_ =	shalt  }
0x50: {  	_ =	shalt  }
0x51: {  	_ =	shalt  }
0x52: {  	_ =	shalt  }
0x53: {  	_ =	shalt  }
0x54: {  	_ =	shalt  }
0x55: {  	_ =	shalt  }
0x56: {  	_ =	shalt  }
0x57: {  	_ =	shalt  }
0x58: {  	_ =	shalt  }
0x59: {  	_ =	shalt  }
0x5a: {  	_ =	shalt  }
0x5b: {  	_ =	shalt  }
0x5c: {  	_ =	shalt  }
0x5d: {  	_ =	shalt  }
0x5e: {  	_ =	shalt  }
0x5f: {  	_ =	shalt  }
0x60: {  	_ =	shalt  }
0x61: {  	_ =	shalt  }
0x62: {  	_ =	shalt  }
0x63: {  	_ =	shalt  }
0x64: {  	_ =	shalt  }
0x65: {  	_ =	shalt  }
0x66: {  	_ =	shalt  }
0x67: {  	_ =	shalt  }
0x68: {  	_ =	shalt  }
0x69: {  	_ =	shalt  }
0x6a: {  	_ =	shalt  }
0x6b: {  	_ =	shalt  }
0x6c: {  	_ =	shalt  }
0x6d: {  	_ =	shalt  }
0x6e: {  	_ =	shalt  }
0x6f: {  	_ =	shalt  }
0x70: {  	_ =	shalt  }
0x71: {  	_ =	shalt  }
0x72: {  	_ =	shalt  }
0x73: {  	_ =	shalt  }
0x74: {  	_ =	shalt  }
0x75: {  	_ =	shalt  }
0x76: {  	_ =	shalt  }
0x77: {  	_ =	shalt  }
0x78: {  	_ =	shalt  }
0x79: {  	_ =	shalt  }
0x7a: {  	_ =	shalt  }
0x7b: {  	_ =	shalt  }
0x7c: {  	_ =	shalt  }
0x7d: {  	_ =	shalt  }
0x7e: {  	_ =	shalt  }
0x7f: {  	_ =	shalt  }
0x80: {  	_ =	shalt  }
0x81: {  	_ =	shalt  }
0x82: {  	_ =	shalt  }
0x83: {  	_ =	shalt  }
0x84: {  	_ =	shalt  }
0x85: {  	_ =	shalt  }
0x86: {  	_ =	shalt  }
0x87: {  	_ =	shalt  }
.Lfunc_end0:
.L_simem_size_0:
called_computation_lowered:
.L_overlay_start_0:
0x88: {  	s2 =	sld [smem:$0x3FD9]  }
0x89: {  	s3 =	sld [smem:$0x3FFE];
	_ =	sdelay $0x1  }
0x8a: {  	s1 =	srdreg.scid  }
0x8b: {  	s0 =	sand.u32 $0x1, s1  }
0x8c: {  	s17 =	sshll.u32 s0, $0xA;
	s2 =	sadd.s32 s3, s2  }
0x8d: {  	s2 =	sadd.s32 s2, s17  }
0x8e: {  	[smem:$0x3FC3] =	sst s2  }
0x8f: {  	_ = 	snop  }
0x90: {  	s2 =	sld [smem:$0x3FC9]  }
0x91: {  	s18 =	sld [smem:$0x3FC8]  }
0x92: {  	s4 =	sld [smem:$0x3FC7]  }
0x93: {  	s5 =	sld [smem:$0x3FD0];
	(tm) =	ssettm $0x1  }
0x94: {  	s6 =	sld [smem:$0x3FFB];
	_ =	sdelay $0x3  }
0x95: {  	_ =	strace s6  }
0x96: {  	s6 =	sld [smem:$0x3FFC];
	_ =	sdelay $0x3  }
0x97: {  	_ =	strace s6  }
0x98: {  	s6 =	sld [smem:$0x3FFD];
	_ =	sdelay $0x3  }
0x99: {  	_ =	strace s6  }
0x9a: {  	_ =	strace $0x8FFFFFFF  }
0x9b: {  	s19 =	sld [smem:$0x3FDB];
	_ =	sdelay $0x1  }
0x9c: {  	s7 =	simm.s32 $_scs_section_size  }
0x9d: {  	s8 =	simm.s32 $_size__tile_overlayer_lowered;
	s9 =	simm.s32 $_tile_overlayer_lowered  }
0x9e: {  	s22 =	simm.s32 $0x1BFF;
	s21 =	sshll.u32 s9, $0x1;
	s6 =	sadd.s32 s7, s19  }
0x9f: {  	s10 =	simm.s32 $0x0;
	s20 =	sshll.u32 s8, $0x1;
	s8 =	sadd.s32 s21, s6  }
0xa0: {  	[timem:s10], [sflag:s22] =	dma.local [hbm:s8], s20  }
0xa1: {  	_ =	swait.ge [sflag:s22], s20  }
0xa2: {  	s7 =	ssub.s32 $0x0, s20;
	[sflag:s22] =	ssyncset.done $0x0  }
0xa3: {  	[sflag:s22] =	ssyncadd.s32 s7;
	_ =	sdelay $0x1  }
0xa4: {  	s23 =	simm.s32 $0x1B8B  }
0xa5: {  	_ =	swait.ge [sflag:s23], $0x1  }
0xa6: {  	[sflag:s23] =	ssyncset.done $0x0  }
0xa7: {  	s25 =	simm.s32 $0x1B8E;
	s24 =	sld [smem:$0x3FFE];
	[sflag:s23] =	ssyncadd.s32 $0xFFFFFFFF  }
0xa8: {  	s26 =	simm.s32 $execute0_lowered;
	[smem:$0x3FD2] =	sst s25  }
0xa9: {  	s8 =	sshll.u32 s26, $0x1;
	_ =	strace $0x80000046;
	[dreg:$0x1] =	wrdreg $0xFFFFFFFF  }
0xaa: {  	s28 =	simm.s32 $_size_execute0_lowered;
	s6 =	sadd.s32 s6, s8;
	[dreg:$0x0] =	wrdreg $0x0  }
0xab: {  	s8 =	sshll.u32 s28, $0x1;
	[dreg:$0x2] =	wrdreg s6  }
0xac: {  	[dreg:$0x3] =	wrdreg s8  }
0xad: {  	[dreg:$0x4] =	wrdreg $0xC0  }
0xae: {  	_ =	task [dreg:s10], $0x5FFFF  }
0xaf: {  	[dreg:$0x1] =	wrdreg $0xFFFFFFFF  }
0xb0: {  	[dreg:$0x0] =	wrdreg $0x60  }
0xb1: {  	[dreg:$0x2] =	wrdreg s2  }
0xb2: {  	[dreg:$0x3] =	wrdreg s18  }
0xb3: {  	[dreg:$0x4] =	wrdreg s4  }
0xb4: {  	[dreg:$0x5] =	wrdreg s24  }
0xb5: {  	[dreg:$0x6] =	wrdreg s5  }
0xb6: {  	[dreg:$0x7] =	wrdreg $0x9  }
0xb7: {  	_ =	task.clear_ibuf [dreg:s10], $0x8FFFF;
	_ =	strace $0x90000046  }
0xb8: {  	s29 =	simm.s32 $0x9;
	_ =	strace $0x80000048  }
0xb9: {  	_ =	swait.ge [sflag:s29], $0x1  }
0xba: {  	[sflag:s29] =	ssyncadd.s32 $0xFFFFFFFF  }
0xbb: {  	_ =	strace $0x90000048  }
0xbc: {  	_ =	sfence  }
0xbd: {  	s30 =	sld [smem:$0x0];
	_ =	sdelay $0x2  }
0xbe: {  	s31 =	sshll.u32 s1, $0xD;
	s1 =	sshrl.u32 s1, $0x2  }
0xbf: {  	s3 =	sand.u32 $0x4000, s31;
	s1 =	sadd.s32 s1, s30  }
0xc0: {  	s0 =	sor.u32 s3, s0;
	s1 =	sshll.u32 s1, $0x11  }
0xc1: {  	s0 =	sor.u32 s1, s0  }
0xc2: {  	s0 =	sadd.s32 $0x8F2B, s0  }
0xc3: {  	[sflag:s0] =	ssyncadd.remote.s32 $0x1  }
0xc4: {  	_ =	sfence.sel $0xFFFF  }
0xc5: {  	[dreg:$0x0] =	wrdreg $0xFFFFFFFF;
	(pc) =	sbr.abs _section_cstart, $3  }
0xc6: {  	[dreg:$0x1] =	wrdreg $0xFFFFFFFF  }
0xc7: {  	_ =	task.clear_ibuf [dreg:s10], $0x2FFFF;
	_ =	strace $0x9FFFFFFF  }
0xc8: {  	(tm) =	ssettm $0x7FFFFFFF  }
0xc9: {  	_ =	shalt  }
tec
execute0_lowered:
.L_overlay_start_1:
0x0: {  	(tag) =	ssettag $0x1  }
0x1: {  	s0 =	rddreg [dreg:$0x0]  }
0x2: {  	s2 =	rddreg [dreg:$0x1]  }
0x3: {  	s5 =	rddreg [dreg:$0x2]  }
0x4: {  	s4 =	rddreg [dreg:$0x3]  }
0x5: {  	s6 =	rddreg [dreg:$0x4]  }
0x6: {  	s1 =	simm.s32 $0x0;
	s7 =	srdreg.scid;
	s9 =	stileid.u32  }
0x7: {  	s19 =	simm.s32 $0x2;
	s28 =	simm.s32 $0x500;
	s29 =	simm.s32 $0x180  }
0x8: {  	s30 =	simm.s32 $0x380;
	s31 =	simm.s32 $0x580;
	[smem:$0x7FF] =	sst s1  }
0x9: {  	s3 =	sadd.s32 $0xF42A00, s4;
	s7 =	sand.u32 $0x1, s7;
	s9 =	sshll.u32 s9, $0x7  }
0xa: {  	s4 =	sadd.s32 $0x600, s4;
	s8 =	ssub.s32 $0x2, s7;
	s7 =	sshll.u32 s7, $0x6  }
0xb: {  	_ =	strace $0x80000047;
	s10 =	sshrl.u32 s8, $0x1;
	s7 =	sor.u32 s7, s9  }
0xc: {  	s8 =	ssub.s32 s8, s10;
	s9 =	sadd.s32 s0, s7;
	s20 =	sor.u32 $0x10, s7  }
0xd: {  	s21 =	sadd.s32 s2, s7;
	s22 =	sadd.s32 s5, s7;
	s25 =	sor.u32 $0x20, s7  }
0xe: {  	s26 =	sor.u32 $0x30, s7;
	s17 =	sadd.s32 s6, s7;
	[dreg:$0x6] =	wrdreg s9  }
0xf: {  	s6 =	simm.s32 $0x1;
	s7 =	simm.s32 $0x0;
	[dreg:$0x7] =	wrdreg s21  }
0x10: {  	[dreg:$0x8] =	wrdreg s22;
	s23 =	sadd.s32 s0, s20;
	s24 =	sadd.s32 s2, s20  }
0x11: {  	s9 =	sadd.s32 s5, s20;
	s11 =	sadd.s32 s0, s25;
	s12 =	sadd.s32 s2, s25  }
0x12: {  	s13 =	sadd.s32 s5, s25;
	s14 =	sadd.s32 s0, s26;
	s15 =	sadd.s32 s2, s26  }
0x13: {  	s16 =	sadd.s32 s5, s26;
	s18 =	smax.u32 s8, $0x1;
	s20 =	simm.s32 $0x200  }
0x14: {  	s21 =	simm.s32 $0x400;
	s22 =	simm.s32 $0x80;
	s25 =	simm.s32 $0x100  }
0x15: {  	s26 =	simm.s32 $0x300;
	s0 =	simm.s32 $0x800;
	[dreg:$0x9] =	wrdreg s23  }
0x16: {  	v2 =	vlaneseq.u32;
	s2 =	simm.s32 $0x4800;
	s5 =	simm.s32 $0x8800;
	[dreg:$0xa] =	wrdreg s24  }
0x17: {  	v0 =	vimm.s32 $0x0;
	v1 =	vimm.f32 $1.000000000e+00;
	v2 =	vmul.u32 $0x20, v2;
	[dreg:$0xb] =	wrdreg s9;
	s23 =	simm.s32 $0x280;
	s24 =	simm.s32 $0x480  }
.LBB2_1:
0x18: {  	s8 =	rddreg [dreg:$0x6]  }
0x19: {  	[tilespmem:s1], [sflag:$0x2] =	stream.linear.gather [hbm4b:s8+s1], $0x80, $0x38;
	[tilespmem:$0xCA00] =	vst v63  }
0x1a: {  	_ =	swait.ge [sflag:s19], $0x80  }
0x1b: {  	[sflag:s19] =	ssyncset.done $0x0  }
0x1c: {  	s9 =	rddreg [dreg:$0x7];
	[sflag:s19] =	ssyncadd.s32 $0xFFFFFF80  }
0x1d: {  	[tilespmem:s20], [sflag:$0x2] =	stream.linear.gather [hbm4b:s9+s1], $0x80, $0x38;
	[tilespmem:$0xCA00] =	vst v63  }
0x1e: {  	_ =	swait.ge [sflag:s19], $0x80  }
0x1f: {  	[sflag:s19] =	ssyncset.done $0x0  }
0x20: {  	s10 =	rddreg [dreg:$0x8];
	[sflag:s19] =	ssyncadd.s32 $0xFFFFFF80  }
0x21: {  	[tilespmem:s21], [sflag:$0x2] =	stream.linear.gather [hbm4b:s10+s1], $0x80, $0x38;
	[tilespmem:$0xCA00] =	vst v63  }
0x22: {  	_ =	swait.ge [sflag:s19], $0x80  }
0x23: {  	[sflag:s19] =	ssyncset.done $0x0  }
0x24: {  	s9 =	rddreg [dreg:$0x9];
	[sflag:s19] =	ssyncadd.s32 $0xFFFFFF80  }
0x25: {  	[tilespmem:s22], [sflag:$0x2] =	stream.linear.gather [hbm4b:s9+s1], $0x80, $0x38;
	[tilespmem:$0xCA00] =	vst v63  }
0x26: {  	_ =	swait.ge [sflag:s19], $0x80  }
0x27: {  	[sflag:s19] =	ssyncset.done $0x0  }
0x28: {  	s10 =	rddreg [dreg:$0xa];
	[sflag:s19] =	ssyncadd.s32 $0xFFFFFF80  }
0x29: {  	[tilespmem:s23], [sflag:$0x2] =	stream.linear.gather [hbm4b:s10+s1], $0x80, $0x38;
	[tilespmem:$0xCA00] =	vst v63  }
0x2a: {  	_ =	swait.ge [sflag:s19], $0x80  }
0x2b: {  	[sflag:s19] =	ssyncset.done $0x0  }
0x2c: {  	s9 =	rddreg [dreg:$0xb];
	[sflag:s19] =	ssyncadd.s32 $0xFFFFFF80  }
0x2d: {  	[tilespmem:s24], [sflag:$0x2] =	stream.linear.gather [hbm4b:s9+s1], $0x80, $0x38;
	[tilespmem:$0xCA00] =	vst v63  }
0x2e: {  	_ =	swait.ge [sflag:s19], $0x80  }
0x2f: {  	[sflag:s19] =	ssyncset.done $0x0  }
0x30: {  	[sflag:s19] =	ssyncadd.s32 $0xFFFFFF80  }
0x31: {  	[tilespmem:s25], [sflag:$0x2] =	stream.linear.gather [hbm4b:s11+s1], $0x80, $0x38;
	[tilespmem:$0xCA00] =	vst v63  }
0x32: {  	_ =	swait.ge [sflag:s19], $0x80  }
0x33: {  	[sflag:s19] =	ssyncset.done $0x0  }
0x34: {  	[sflag:s19] =	ssyncadd.s32 $0xFFFFFF80  }
0x35: {  	[tilespmem:s26], [sflag:$0x2] =	stream.linear.gather [hbm4b:s12+s1], $0x80, $0x38;
	[tilespmem:$0xCA00] =	vst v63  }
0x36: {  	_ =	swait.ge [sflag:s19], $0x80  }
0x37: {  	[sflag:s19] =	ssyncset.done $0x0  }
0x38: {  	[sflag:s19] =	ssyncadd.s32 $0xFFFFFF80  }
0x39: {  	[tilespmem:s28], [sflag:$0x2] =	stream.linear.gather [hbm4b:s13+s1], $0x80, $0x38;
	[tilespmem:$0xCA00] =	vst v63  }
0x3a: {  	_ =	swait.ge [sflag:s19], $0x80  }
0x3b: {  	[sflag:s19] =	ssyncset.done $0x0  }
0x3c: {  	[sflag:s19] =	ssyncadd.s32 $0xFFFFFF80  }
0x3d: {  	[tilespmem:s29], [sflag:$0x2] =	stream.linear.gather [hbm4b:s14+s1], $0x80, $0x38;
	[tilespmem:$0xCA00] =	vst v63  }
0x3e: {  	_ =	swait.ge [sflag:s19], $0x80  }
0x3f: {  	[sflag:s19] =	ssyncset.done $0x0  }
0x40: {  	[sflag:s19] =	ssyncadd.s32 $0xFFFFFF80  }
0x41: {  	[tilespmem:s30], [sflag:$0x2] =	stream.linear.gather [hbm4b:s15+s1], $0x80, $0x38;
	[tilespmem:$0xCA00] =	vst v63  }
0x42: {  	_ =	swait.ge [sflag:s19], $0x80  }
0x43: {  	[sflag:s19] =	ssyncset.done $0x0  }
0x44: {  	[sflag:s19] =	ssyncadd.s32 $0xFFFFFF80  }
0x45: {  	[tilespmem:s31], [sflag:$0x2] =	stream.linear.gather [hbm4b:s16+s1], $0x80, $0x38;
	[tilespmem:$0xCA00] =	vst v63  }
0x46: {  	_ =	swait.ge [sflag:s19], $0x80  }
0x47: {  	[sflag:s19] =	ssyncset.done $0x0  }
0x48: {  	[sflag:s19] =	ssyncadd.s32 $0xFFFFFF80  }
0x49: {  	v3 =	vld [tilespmem:$0x200];
	_ =	sdelay $0x1  }
0x4a: {  	v4 =	vld [tilespmem:$0x210];
	_ =	sdelay $0x1  }
0x4b: {  	v5 =	vld [tilespmem:$0x220]  }
0x4c: {  	vm0 =	vgt.s32 v3, $0x3E7  }
0x4d: {  	v7 =	vld [tilespmem:$0x230];
	v6 =	vsel vm0, $0xFFFFFC18, v0  }
0x4e: {  	vm1 =	vgt.s32 v4, $0x3E7;
	v3 =	vadd.s32 v3, v6  }
0x4f: {  	v8 =	vld [tilespmem:$0x240];
	v59 =	vsel vm1, $0xFFFFFC18, v0;
	[tilespmem:$0x200] =	vst v3;
	v3 =	vsel vm0, $0xBF800000, v1  }
0x50: {  	vm10 =	vgt.s32 v5, $0x3E7;
	[tilespmem:$0x600] =	vst v3;
	v3 =	vadd.s32 v4, v59  }
0x51: {  	v61 =	vld [tilespmem:$0x250];
	v60 =	vsel vm10, $0xFFFFFC18, v0;
	[tilespmem:$0x210] =	vst v3;
	v3 =	vsel vm1, $0xBF800000, v1  }
0x52: {  	vm11 =	vgt.s32 v7, $0x3E7;
	[tilespmem:$0x610] =	vst v3;
	v3 =	vadd.s32 v5, v60  }
0x53: {  	v63 =	vld [tilespmem:$0x260];
	v62 =	vsel vm11, $0xFFFFFC18, v0;
	[tilespmem:$0x220] =	vst v3;
	v3 =	vsel vm10, $0xBF800000, v1  }
0x54: {  	vm12 =	vgt.s32 v8, $0x3E7;
	[tilespmem:$0x620] =	vst v3;
	v3 =	vadd.s32 v7, v62  }
0x55: {  	v12 =	vld [tilespmem:$0x270];
	v11 =	vsel vm12, $0xFFFFFC18, v0;
	[tilespmem:$0x230] =	vst v3;
	v3 =	vsel vm11, $0xBF800000, v1  }
0x56: {  	vm13 =	vgt.s32 v61, $0x3E7;
	[tilespmem:$0x630] =	vst v3;
	v3 =	vadd.s32 v8, v11  }
0x57: {  	v14 =	vld [tilespmem:$0x280];
	v13 =	vsel vm13, $0xFFFFFC18, v0;
	[tilespmem:$0x240] =	vst v3;
	v3 =	vsel vm12, $0xBF800000, v1  }
0x58: {  	vm14 =	vgt.s32 v63, $0x3E7;
	[tilespmem:$0x640] =	vst v3;
	v3 =	vadd.s32 v61, v13  }
0x59: {  	v16 =	vld [tilespmem:$0x290];
	v15 =	vsel vm14, $0xFFFFFC18, v0;
	[tilespmem:$0x250] =	vst v3;
	v3 =	vsel vm13, $0xBF800000, v1  }
0x5a: {  	vm15 =	vgt.s32 v12, $0x3E7;
	[tilespmem:$0x650] =	vst v3;
	v3 =	vadd.s32 v63, v15  }
0x5b: {  	v18 =	vld [tilespmem:$0x2A0];
	v17 =	vsel vm15, $0xFFFFFC18, v0;
	[tilespmem:$0x260] =	vst v3;
	v3 =	vsel vm14, $0xBF800000, v1  }
0x5c: {  	vm4 =	vgt.s32 v14, $0x3E7;
	[tilespmem:$0x660] =	vst v3;
	v3 =	vadd.s32 v12, v17  }
0x5d: {  	v20 =	vld [tilespmem:$0x2B0];
	v19 =	vsel vm4, $0xFFFFFC18, v0;
	[tilespmem:$0x270] =	vst v3;
	v3 =	vsel vm15, $0xBF800000, v1  }
0x5e: {  	vm5 =	vgt.s32 v16, $0x3E7;
	[tilespmem:$0x670] =	vst v3;
	v3 =	vadd.s32 v14, v19  }
0x5f: {  	v22 =	vld [tilespmem:$0x2C0];
	v21 =	vsel vm5, $0xFFFFFC18, v0;
	[tilespmem:$0x280] =	vst v3;
	v3 =	vsel vm4, $0xBF800000, v1  }
0x60: {  	vm6 =	vgt.s32 v18, $0x3E7;
	[tilespmem:$0x680] =	vst v3;
	v3 =	vadd.s32 v16, v21  }
0x61: {  	v24 =	vld [tilespmem:$0x2D0];
	v23 =	vsel vm6, $0xFFFFFC18, v0;
	[tilespmem:$0x290] =	vst v3;
	v3 =	vsel vm5, $0xBF800000, v1  }
0x62: {  	vm7 =	vgt.s32 v20, $0x3E7;
	[tilespmem:$0x690] =	vst v3;
	v3 =	vadd.s32 v18, v23  }
0x63: {  	v26 =	vld [tilespmem:$0x2E0];
	v25 =	vsel vm7, $0xFFFFFC18, v0;
	[tilespmem:$0x2A0] =	vst v3;
	v3 =	vsel vm6, $0xBF800000, v1  }
0x64: {  	vm8 =	vgt.s32 v22, $0x3E7;
	[tilespmem:$0x6A0] =	vst v3;
	v3 =	vadd.s32 v20, v25  }
0x65: {  	v28 =	vld [tilespmem:$0x2F0];
	v27 =	vsel vm8, $0xFFFFFC18, v0;
	[tilespmem:$0x2B0] =	vst v3;
	v3 =	vsel vm7, $0xBF800000, v1  }
0x66: {  	vm9 =	vgt.s32 v24, $0x3E7;
	[tilespmem:$0x6B0] =	vst v3;
	v3 =	vadd.s32 v22, v27  }
0x67: {  	v30 =	vld [tilespmem:$0x300];
	v29 =	vsel vm9, $0xFFFFFC18, v0;
	[tilespmem:$0x2C0] =	vst v3;
	v3 =	vsel vm8, $0xBF800000, v1  }
0x68: {  	vm10 =	vgt.s32 v26, $0x3E7;
	[tilespmem:$0x6C0] =	vst v3;
	v3 =	vadd.s32 v24, v29  }
0x69: {  	v32 =	vld [tilespmem:$0x310];
	v31 =	vsel vm10, $0xFFFFFC18, v0;
	[tilespmem:$0x2D0] =	vst v3;
	v3 =	vsel vm9, $0xBF800000, v1  }
0x6a: {  	vm11 =	vgt.s32 v28, $0x3E7;
	[tilespmem:$0x6D0] =	vst v3;
	v3 =	vadd.s32 v26, v31  }
0x6b: {  	v34 =	vld [tilespmem:$0x320];
	v33 =	vsel vm11, $0xFFFFFC18, v0;
	[tilespmem:$0x2E0] =	vst v3;
	v3 =	vsel vm10, $0xBF800000, v1  }
0x6c: {  	vm12 =	vgt.s32 v30, $0x3E7;
	[tilespmem:$0x6E0] =	vst v3;
	v3 =	vadd.s32 v28, v33  }
0x6d: {  	v36 =	vld [tilespmem:$0x330];
	v35 =	vsel vm12, $0xFFFFFC18, v0;
	[tilespmem:$0x2F0] =	vst v3;
	v3 =	vsel vm11, $0xBF800000, v1  }
0x6e: {  	vm13 =	vgt.s32 v32, $0x3E7;
	[tilespmem:$0x6F0] =	vst v3;
	v3 =	vadd.s32 v30, v35  }
0x6f: {  	v38 =	vld [tilespmem:$0x340];
	v37 =	vsel vm13, $0xFFFFFC18, v0;
	[tilespmem:$0x300] =	vst v3;
	v3 =	vsel vm12, $0xBF800000, v1  }
0x70: {  	vm14 =	vgt.s32 v34, $0x3E7;
	[tilespmem:$0x700] =	vst v3;
	v3 =	vadd.s32 v32, v37  }
0x71: {  	v40 =	vld [tilespmem:$0x350];
	v39 =	vsel vm14, $0xFFFFFC18, v0;
	[tilespmem:$0x310] =	vst v3;
	v3 =	vsel vm13, $0xBF800000, v1  }
0x72: {  	vm15 =	vgt.s32 v36, $0x3E7;
	[tilespmem:$0x710] =	vst v3;
	v3 =	vadd.s32 v34, v39  }
0x73: {  	v42 =	vld [tilespmem:$0x360];
	v41 =	vsel vm15, $0xFFFFFC18, v0;
	[tilespmem:$0x320] =	vst v3;
	v3 =	vsel vm14, $0xBF800000, v1  }
0x74: {  	vm4 =	vgt.s32 v38, $0x3E7;
	[tilespmem:$0x720] =	vst v3;
	v3 =	vadd.s32 v36, v41  }
0x75: {  	v44 =	vld [tilespmem:$0x370];
	v43 =	vsel vm4, $0xFFFFFC18, v0;
	[tilespmem:$0x330] =	vst v3;
	v3 =	vsel vm15, $0xBF800000, v1  }
0x76: {  	vm5 =	vgt.s32 v40, $0x3E7;
	[tilespmem:$0x730] =	vst v3;
	v3 =	vadd.s32 v38, v43  }
0x77: {  	v46 =	vld [tilespmem:$0x380];
	v45 =	vsel vm5, $0xFFFFFC18, v0;
	[tilespmem:$0x340] =	vst v3;
	v3 =	vsel vm4, $0xBF800000, v1  }
0x78: {  	vm6 =	vgt.s32 v42, $0x3E7;
	[tilespmem:$0x740] =	vst v3;
	v3 =	vadd.s32 v40, v45  }
0x79: {  	v48 =	vld [tilespmem:$0x390];
	v47 =	vsel vm6, $0xFFFFFC18, v0;
	[tilespmem:$0x350] =	vst v3;
	v3 =	vsel vm5, $0xBF800000, v1  }
0x7a: {  	vm7 =	vgt.s32 v44, $0x3E7;
	[tilespmem:$0x750] =	vst v3;
	v3 =	vadd.s32 v42, v47  }
0x7b: {  	v50 =	vld [tilespmem:$0x3A0];
	v49 =	vsel vm7, $0xFFFFFC18, v0;
	[tilespmem:$0x360] =	vst v3;
	v3 =	vsel vm6, $0xBF800000, v1  }
0x7c: {  	vm8 =	vgt.s32 v46, $0x3E7;
	[tilespmem:$0x760] =	vst v3;
	v3 =	vadd.s32 v44, v49  }
0x7d: {  	v52 =	vld [tilespmem:$0x3B0];
	v51 =	vsel vm8, $0xFFFFFC18, v0;
	[tilespmem:$0x370] =	vst v3;
	v3 =	vsel vm7, $0xBF800000, v1  }
0x7e: {  	vm9 =	vgt.s32 v48, $0x3E7;
	[tilespmem:$0x770] =	vst v3;
	v3 =	vadd.s32 v46, v51  }
0x7f: {  	v54 =	vld [tilespmem:$0x3C0];
	v53 =	vsel vm9, $0xFFFFFC18, v0;
	[tilespmem:$0x380] =	vst v3;
	v3 =	vsel vm8, $0xBF800000, v1  }
0x80: {  	vm10 =	vgt.s32 v50, $0x3E7;
	[tilespmem:$0x780] =	vst v3;
	v3 =	vadd.s32 v48, v53  }
0x81: {  	v56 =	vld [tilespmem:$0x3D0];
	v55 =	vsel vm10, $0xFFFFFC18, v0;
	[tilespmem:$0x390] =	vst v3;
	v3 =	vsel vm9, $0xBF800000, v1  }
0x82: {  	vm11 =	vgt.s32 v52, $0x3E7;
	[tilespmem:$0x790] =	vst v3;
	v3 =	vadd.s32 v50, v55  }
0x83: {  	v58 =	vld [tilespmem:$0x3E0];
	v57 =	vsel vm11, $0xFFFFFC18, v0;
	[tilespmem:$0x3A0] =	vst v3;
	v3 =	vsel vm10, $0xBF800000, v1  }
0x84: {  	vm12 =	vgt.s32 v54, $0x3E7;
	[tilespmem:$0x7A0] =	vst v3;
	v3 =	vadd.s32 v52, v57  }
0x85: {  	v60 =	vld [tilespmem:$0x3F0];
	v59 =	vsel vm12, $0xFFFFFC18, v0;
	[tilespmem:$0x3B0] =	vst v3;
	v3 =	vsel vm11, $0xBF800000, v1  }
0x86: {  	vm13 =	vgt.s32 v56, $0x3E7;
	[tilespmem:$0x7B0] =	vst v3;
	v3 =	vadd.s32 v54, v59  }
0x87: {  	v61 =	vsel vm13, $0xFFFFFC18, v0;
	[tilespmem:$0x3C0] =	vst v3;
	v3 =	vsel vm12, $0xBF800000, v1  }
0x88: {  	vm14 =	vgt.s32 v58, $0x3E7;
	[tilespmem:$0x7C0] =	vst v3;
	v3 =	vadd.s32 v56, v61  }
0x89: {  	v62 =	vsel vm14, $0xFFFFFC18, v0;
	[tilespmem:$0x3D0] =	vst v3;
	v3 =	vsel vm13, $0xBF800000, v1  }
0x8a: {  	vm15 =	vgt.s32 v60, $0x3E7;
	[tilespmem:$0x7D0] =	vst v3;
	v3 =	vadd.s32 v58, v62  }
0x8b: {  	v63 =	vsel vm14, $0xBF800000, v1;
	[tilespmem:$0x3E0] =	vst v3;
	v3 =	vsel vm15, $0xFFFFFC18, v0  }
0x8c: {  	[tilespmem:$0x7E0] =	vst v63;
	v3 =	vadd.s32 v60, v3  }
0x8d: {  	[tilespmem:$0x3F0] =	vst v3;
	v3 =	vsel vm15, $0xBF800000, v1  }
0x8e: {  	[tilespmem:$0x7F0] =	vst v3  }
0x8f: {  	[tilespmem:s0], [sflag:$0x1] =	stream.indirect.gather [hbm4b:s3+s22], $0x20, s1, s22, $0xb8;
	[tilespmem:$0xCA00] =	vst v63  }
0x90: {  	_ = 	snop  }
0x91: {  	[tilespmem:s2], [sflag:$0x1] =	stream.indirect.gather [hbm4b:s4+s22], $0x20, s20, s22, $0xb8;
	[tilespmem:$0xCA00] =	vst v63  }
0x92: {  	_ = 	snop  }
0x93: {  	[tilespmem:s5], [sflag:$0x1] =	stream.indirect.gather [hbm4b:s3+s22], $0x20, s21, s22, $0xb8;
	[tilespmem:$0xCA00] =	vst v63  }
0x94: {  	s10 =	simm.s32 $0x1800  }
0x95: {  	[tilespmem:s10], [sflag:$0x1] =	stream.indirect.gather [hbm4b:s3+s22], $0x20, s22, s22, $0xb8;
	[tilespmem:$0xCA00] =	vst v63  }
0x96: {  	s9 =	simm.s32 $0x5800  }
0x97: {  	[tilespmem:s9], [sflag:$0x1] =	stream.indirect.gather [hbm4b:s4+s22], $0x20, s23, s22, $0xb8;
	[tilespmem:$0xCA00] =	vst v63  }
0x98: {  	s10 =	simm.s32 $0x9800  }
0x99: {  	[tilespmem:s10], [sflag:$0x1] =	stream.indirect.gather [hbm4b:s3+s22], $0x20, s24, s22, $0xb8;
	[tilespmem:$0xCA00] =	vst v63  }
0x9a: {  	s9 =	simm.s32 $0x2800  }
0x9b: {  	[tilespmem:s9], [sflag:$0x1] =	stream.indirect.gather [hbm4b:s3+s22], $0x20, s25, s22, $0xb8;
	[tilespmem:$0xCA00] =	vst v63  }
0x9c: {  	s10 =	simm.s32 $0x6800  }
0x9d: {  	[tilespmem:s10], [sflag:$0x1] =	stream.indirect.gather [hbm4b:s4+s22], $0x20, s26, s22, $0xb8;
	[tilespmem:$0xCA00] =	vst v63  }
0x9e: {  	s9 =	simm.s32 $0xA800  }
0x9f: {  	[tilespmem:s9], [sflag:$0x1] =	stream.indirect.gather [hbm4b:s3+s22], $0x20, s28, s22, $0xb8;
	[tilespmem:$0xCA00] =	vst v63  }
0xa0: {  	s10 =	simm.s32 $0x3800  }
0xa1: {  	[tilespmem:s10], [sflag:$0x1] =	stream.indirect.gather [hbm4b:s3+s22], $0x20, s29, s22, $0xb8;
	[tilespmem:$0xCA00] =	vst v63  }
0xa2: {  	s9 =	simm.s32 $0x7800  }
0xa3: {  	[tilespmem:s9], [sflag:$0x1] =	stream.indirect.gather [hbm4b:s4+s22], $0x20, s30, s22, $0xb8;
	[tilespmem:$0xCA00] =	vst v63  }
0xa4: {  	s10 =	simm.s32 $0xB800  }
0xa5: {  	[tilespmem:s10], [sflag:$0x1] =	stream.indirect.gather [hbm4b:s3+s22], $0x20, s31, s22, $0xb8;
	[tilespmem:$0xCA00] =	vst v63  }
0xa6: {  	_ =	swait.ge [sflag:s6], $0x1000  }
0xa7: {  	[sflag:s6] =	ssyncset.done $0x0  }
0xa8: {  	[sflag:s6] =	ssyncadd.s32 $0xFFFFF000  }
0xa9: {  	_ =	swait.ge [sflag:s6], $0x1000  }
0xaa: {  	[sflag:s6] =	ssyncset.done $0x0  }
0xab: {  	[sflag:s6] =	ssyncadd.s32 $0xFFFFF000  }
0xac: {  	_ =	swait.ge [sflag:s6], $0x1000  }
0xad: {  	[sflag:s6] =	ssyncset.done $0x0  }
0xae: {  	[sflag:s6] =	ssyncadd.s32 $0xFFFFF000  }
0xaf: {  	_ =	swait.ge [sflag:s6], $0x1000  }
0xb0: {  	[sflag:s6] =	ssyncset.done $0x0  }
0xb1: {  	[sflag:s6] =	ssyncadd.s32 $0xFFFFF000  }
0xb2: {  	_ =	swait.ge [sflag:s6], $0x1000  }
0xb3: {  	[sflag:s6] =	ssyncset.done $0x0  }
0xb4: {  	[sflag:s6] =	ssyncadd.s32 $0xFFFFF000  }
0xb5: {  	_ =	swait.ge [sflag:s6], $0x1000  }
0xb6: {  	[sflag:s6] =	ssyncset.done $0x0  }
0xb7: {  	[sflag:s6] =	ssyncadd.s32 $0xFFFFF000  }
0xb8: {  	_ =	swait.ge [sflag:s6], $0x1000  }
0xb9: {  	[sflag:s6] =	ssyncset.done $0x0  }
0xba: {  	[sflag:s6] =	ssyncadd.s32 $0xFFFFF000  }
0xbb: {  	_ =	swait.ge [sflag:s6], $0x1000  }
0xbc: {  	[sflag:s6] =	ssyncset.done $0x0  }
0xbd: {  	[sflag:s6] =	ssyncadd.s32 $0xFFFFF000  }
0xbe: {  	_ =	swait.ge [sflag:s6], $0x1000  }
0xbf: {  	[sflag:s6] =	ssyncset.done $0x0  }
0xc0: {  	[sflag:s6] =	ssyncadd.s32 $0xFFFFF000  }
0xc1: {  	_ =	swait.ge [sflag:s6], $0x1000  }
0xc2: {  	[sflag:s6] =	ssyncset.done $0x0  }
0xc3: {  	[sflag:s6] =	ssyncadd.s32 $0xFFFFF000  }
0xc4: {  	_ =	swait.ge [sflag:s6], $0x1000  }
0xc5: {  	[sflag:s6] =	ssyncset.done $0x0  }
0xc6: {  	[sflag:s6] =	ssyncadd.s32 $0xFFFFF000  }
0xc7: {  	_ =	swait.ge [sflag:s6], $0x1000  }
0xc8: {  	[sflag:s6] =	ssyncset.done $0x0  }
0xc9: {  	s8 =	simm.s32 $0x0;
	[sflag:s6] =	ssyncadd.s32 $0xFFFFF000  }
.LBB2_2:
0xca: {  	s10 =	simm.s32 $0x0  }
0xcb: {  	s9 =	sshll.u32 s8, $0x4;
	v3 =	vmov s10  }
0xcc: {  	v4 =	vmov s9;
	v3 =	vand.u32 $0x1F, v3  }
0xcd: {  	v4 =	vshll.u32 v4, $0x5;
	v3 =	vbroadcast v3, $0x0  }
0xce: {  	v4 =	vor.u32 v2, v4  }
0xcf: {  	v5 =	vor.u32 v4, v3  }
0xd0: {  	s10 =	simm.s32 $0x1  }
0xd1: {  	v3 =	vmov s10  }
0xd2: {  	v6 =	vand.u32 $0x1F, v3  }
0xd3: {  	v3 =	vld [tilespmem:s9+$0x600];
	v6 =	vbroadcast v6, $0x0  }
0xd4: {  	v8 =	vld.idx.msk [tilespmem:v5+s2+$0x0], $0xffff  }
0xd5: {  	s10 =	simm.s32 $0x2;
	v6 =	vor.u32 v4, v6  }
0xd6: {  	v7 =	vmov s10;
	v11 =	vld.idx.msk [tilespmem:v5+s0+$0x0], $0xffff  }
0xd7: {  	v7 =	vand.u32 $0x1F, v7  }
0xd8: {  	v9 =	vbroadcast v7, $0x0;
	v7 =	vld.idx.msk [tilespmem:v5+s5+$0x0], $0xffff  }
0xd9: {  	v12 =	vmul.f32 v8, v3  }
0xda: {  	v10 =	vor.u32 v4, v9;
	v8 =	vld.idx.msk [tilespmem:v6+s2+$0x0], $0xffff  }
0xdb: {  	s10 =	simm.s32 $0x3;
	v5 =	vimm.f32 $0.0e+00;
	v9 =	vld.idx.msk [tilespmem:v6+s0+$0x0], $0xffff;
	v12 =	vadd.f32 v12, v11;
	v11 =	vmov v10  }
.LBB2_3:
0xdc: {  	v13 =	vmov s10;
	p0 =	sne.s32 s10, $0x1F;
	s10 =	sadd.s32 $0x1, s10  }
.Ltmp0:
0xdd: {  	v13 =	vand.u32 $0x1F, v13;
	v12 =	vsub.f32 v12, v7;
	v7 =	vld.idx.msk [tilespmem:v6+s5+$0x0], $0xffff;
	v6 =	vmov v10;
	(pc) =	sbr.rel @p0 .LBB2_3-.Ltmp0, $4  }
0xde: {  	v13 =	vbroadcast v13, $0x0  }
0xdf: {  	v14 =	vmul.f32 v8, v3;
	v8 =	vld.idx.msk [tilespmem:v10+s2+$0x0], $0xffff;
	v12 =	vand.u32 $0x7FFFFFFF, v12  }
0xe0: {  	v10 =	vor.u32 v4, v13;
	v5 =	vadd.f32 v12, v5  }
0xe1: {  	v12 =	vadd.f32 v14, v9;
	v9 =	vld.idx.msk [tilespmem:v11+s0+$0x0], $0xffff;
	v11 =	vmov v10  }
0xe2: {  	_ =	sdelay $0x3  }
0xe3: {  	v4 =	vld.idx.msk [tilespmem:v10+s2+$0x0], $0xffff  }
0xe4: {  	v6 =	vld.idx.msk [tilespmem:v6+s5+$0x0], $0xffff  }
0xe5: {  	v11 =	vld.idx.msk [tilespmem:v11+s0+$0x0], $0xffff  }
0xe6: {  	v8 =	vmul.f32 v8, v3  }
0xe7: {  	v61 =	vld.idx.msk [tilespmem:v10+s5+$0x0], $0xffff  }
0xe8: {  	v7 =	vsub.f32 v12, v7;
	v8 =	vadd.f32 v8, v9;
	v3 =	vmul.f32 v4, v3;
	_ =	sdelay $0x1  }
0xe9: {  	v62 =	vand.u32 $0x7FFFFFFF, v7;
	v6 =	vsub.f32 v8, v6;
	v3 =	vadd.f32 v3, v11  }
0xea: {  	v4 =	vadd.f32 v62, v5  }
0xeb: {  	v63 =	vand.u32 $0x7FFFFFFF, v6;
	v3 =	vsub.f32 v3, v61  }
0xec: {  	s8 =	sadd.s32 $0x1, s8;
	v4 =	vadd.f32 v63, v4  }
0xed: {  	p0 =	sne.s32 s8, $0x20;
	v3 =	vand.u32 $0x7FFFFFFF, v3  }
.Ltmp1:
0xee: {  	v3 =	vadd.f32 v3, v4;
	(pc) =	sbr.rel @p0 .LBB2_2-.Ltmp1, $3  }
0xef: {  	_ = 	snop  }
0xf0: {  	v3 =	vsub.f32 $1.200000000e+01, v3;
	_ =	sdelay $0x1  }
0xf1: {  	[tilespmem:s9+$0xC800] =	vst v3  }
0xf2: {  	s7 =	sadd.s32 $0x1, s7  }
0xf3: {  	p0 =	sne.s32 s7, s18  }
.Ltmp2:
0xf4: {  	s8 =	simm.s32 $0xC800;
	(pc) =	sbr.rel @p0 .LBB2_1-.Ltmp2, $4  }
0xf5: {  	[hbm4b:s17+s1] =	stream.linear.scatter [tilespmem:s8], [sflag:$0x2], $0x200, $0x38;
	[tilespmem:$0xCA00] =	vst v63  }
0xf6: {  	_ =	swait.ge [sflag:s19], $0x200  }
0xf7: {  	[sflag:s19] =	ssyncset.done $0x0  }
0xf8: {  	[sflag:s19] =	ssyncadd.s32 $0xFFFFFE00  }
0xf9: {  	_ =	sfence.sel $0x180000  }
0xfa: {  	[bflag:$0x0] =	sbarrier.arrive $0xFFFF  }
0xfb: {  	_ =	strace $0x90000047  }
0xfc: {  	s0 =	stileid.u32;
	[bflag:$0x2] =	sbarrier.arrive $0xFFFF  }
0xfd: {  	p0 =	sne.s32 s0, $0x0;
	s0 =	rddreg [dreg:$0x5]  }
0xfe: {  	s0 =	sadd.s32 @!p0 $0x100000, s0  }
0xff: {  	[sflag:s0] =	ssyncadd.tile.s32 @!p0 $0x1;
	_ =	shalt  }
.Lfunc_end2:
_tile_overlayer_lowered:
.L_overlay_start_2:
0x100: {  	(tag) =	ssettag $0x2  }
0x101: {  	s0 =	rddreg [dreg:$0x0];
	s2 =	stileid.u32  }
0x102: {  	s1 =	rddreg [dreg:$0x1];
	p0 =	sne.s32 s2, $0x0  }
0x103: {  	s3 =	rddreg [dreg:$0x2];
	[bflag:$0x3] =	sbarrier.arrive $0xFFFF;
	s2 =	simm.s32 @!p0 $0x1C02  }
0x104: {  	[timem:s3], [sflag:s2] =	dma.local @!p0 [hbm:s0], s1  }
0x105: {  	s0 =	simm.s32 @!p0 $0x2  }
0x106: {  	_ =	swait.ge @!p0 [sflag:s0], s1  }
0x107: {  	s1 =	ssub.s32 @!p0 $0x0, s1;
	[sflag:s0] =	ssyncset.done @!p0 $0x0  }
0x108: {  	[sflag:s0] =	ssyncadd.s32 @!p0 s1  }
0x109: {  	[bflag:$0x3] =	sbarrier.arrive $0xFFFF  }
0x10a: {  	_ =	shalt  }

</sc_bundles>
